<compile_context>
chip_gen: v7x
topology: tpu7x:2x2x1
jax: 0.10.2.dev20260603
libtpu: 0.0.44.dev20260713+nightly
codegen_flags: <defaults>
</compile_context>

<pallas_src>
import functools
import math

import jax
import jax.numpy as jnp
from jax import lax
from jax.experimental import pallas as pl
from jax.experimental.pallas import tpu as pltpu
from jax.experimental.pallas import tpu_sc as plsc

_NC = 2
_NS = 16
_NW = _NC * _NS

_VOCAB = 100000
_D = 128
_L = 200
_B = 1024
_TOK = _B * _L
_CH = 128
_CPW = _TOK // _NW
_NCHUNK = _CPW // _CH


def _allreduce_sum(v):
    lanes = lax.iota(jnp.int32, 16)
    dnums = lax.GatherDimensionNumbers(
        offset_dims=(), collapsed_slice_dims=(0,), start_index_map=(0,))
    for k in (8, 4, 2, 1):
        idx = lax.bitwise_xor(lanes, jnp.int32(k))
        v = v + lax.gather(v, idx[:, None], dnums, (1,),
                           mode=lax.GatherScatterMode.PROMISE_IN_BOUNDS)
    return v


def _rsqrt_nr(x):
    i = lax.bitcast_convert_type(x, jnp.int32)
    i = jnp.int32(0x5F3759DF) - lax.shift_right_logical(i, 1)
    r = lax.bitcast_convert_type(i, jnp.float32)
    for _ in range(3):
        r = r * (1.5 - 0.5 * x * r * r)
    return r


def _emb_ln_body(ids_hbm, pos_hbm, w_hbm, gam_hbm, bet_hbm, out_hbm,
                 ids_v, pos_v, gam_v, bet_v, rows_v, sem):
    cid = lax.axis_index("c")
    sid = lax.axis_index("s")
    wid = sid * _NC + cid
    gbase = wid * _CPW

    pltpu.sync_copy(ids_hbm.at[wid], ids_v)
    pltpu.sync_copy(pos_hbm, pos_v)
    pltpu.sync_copy(gam_hbm, gam_v)
    pltpu.sync_copy(bet_hbm, bet_v)

    def chunk_body(c, carry):
        pltpu.async_copy(w_hbm.at[ids_v.at[c]], rows_v, sem).wait()

        def tok_body(t, tcarry):
            pidx = lax.rem(c * _CH + t, _L)
            ys = []
            for j in range(8):
                r = rows_v[t, pl.ds(j * 16, 16)]
                p = pos_v[pidx, pl.ds(j * 16, 16)]
                ys.append(r + p)
            s = ys[0]
            for j in range(1, 8):
                s = s + ys[j]
            q = ys[0] * ys[0]
            for j in range(1, 8):
                q = q + ys[j] * ys[j]
            mean = _allreduce_sum(s) * (1.0 / _D)
            msq = _allreduce_sum(q) * (1.0 / _D)
            var = msq - mean * mean
            rstd = _rsqrt_nr(var + 1e-6)
            for j in range(8):
                g = gam_v[pl.ds(j * 16, 16)]
                b = bet_v[pl.ds(j * 16, 16)]
                rows_v[t, pl.ds(j * 16, 16)] = (ys[j] - mean) * rstd * g + b
            return tcarry

        lax.fori_loop(0, _CH, tok_body, 0)
        pltpu.sync_copy(rows_v, out_hbm.at[pl.ds(gbase + c * _CH, _CH)])
        return carry

    lax.fori_loop(0, _NCHUNK, chunk_body, 0)


_emb_ln = functools.partial(
    pl.kernel,
    out_type=jax.ShapeDtypeStruct((_TOK, _D), jnp.float32),
    mesh=plsc.VectorSubcoreMesh(core_axis_name="c", subcore_axis_name="s",
                                num_cores=_NC, num_subcores=_NS),
    scratch_types=[
        pltpu.VMEM((_NCHUNK, _CH), jnp.int32),
        pltpu.VMEM((_L, _D), jnp.float32),
        pltpu.VMEM((_D,), jnp.float32),
        pltpu.VMEM((_D,), jnp.float32),
        pltpu.VMEM((_CH, _D), jnp.float32),
        pltpu.SemaphoreType.DMA,
    ],
)(_emb_ln_body)


def _pos_table(length, d):
    pos = jnp.arange(length, dtype=jnp.float32)[:, None]
    i = jnp.arange(d, dtype=jnp.float32)[None, :]
    angles = pos * (1.0 / jnp.power(10000.0, 2.0 * jnp.floor(i / 2.0) / jnp.float32(d)))
    pe = jnp.zeros((length, d), dtype=jnp.float32)
    pe = pe.at[:, 0::2].set(jnp.sin(angles[:, 0::2]))
    pe = pe.at[:, 1::2].set(jnp.cos(angles[:, 1::2]))
    return pe


def kernel(input_ids, token_type_ids, W, gamma, beta):
    del token_type_ids
    ids = input_ids.reshape(_NW, _NCHUNK, _CH)
    pe = _pos_table(_L, _D) * jnp.float32(1.0 / math.sqrt(_D))
    out = _emb_ln(ids, pe, W, gamma, beta)
    return out.reshape(_B, _L, _D)

# --- scband reference (transcript-rebuilt; emitter-appended) ---
"""Pipeline reference for scband-embedding-6167573037837 (READ-ONLY COPY).

The authoritative reference and input builder live on the scoring server;
editing this copy changes nothing except your own understanding.
"""

import jax, jax.numpy as jnp
import numpy as np

VOCAB = 100000
EMB = 128
B = 1024
L = 200


def positional_encoding(vocab_size, d):
    pos = jnp.arange(vocab_size, dtype=jnp.float32)[:, None]
    i = jnp.arange(d, dtype=jnp.float32)[None, :]
    angles = pos * (1.0 / jnp.power(10000.0, 2.0 * jnp.floor(i / 2.0) / jnp.float32(d)))
    pe = jnp.zeros((vocab_size, d), dtype=jnp.float32)
    pe = pe.at[:, 0::2].set(jnp.sin(angles[:, 0::2]))
    pe = pe.at[:, 1::2].set(jnp.cos(angles[:, 1::2]))
    return pe[None, ...]


def setup_inputs(seed: int = 0) -> dict:
    key = jax.random.key(seed)
    k1, k2, k3 = jax.random.split(key, 3)
    input_ids = jax.random.randint(k1, (B, L), 0, VOCAB, dtype=jnp.int32)
    token_type_ids = jax.random.randint(k2, (B, L), 0, 2, dtype=jnp.int32)
    W = 0.02 * jax.random.normal(k3, (VOCAB, EMB), dtype=jnp.float32)
    gamma = jnp.ones((EMB,), dtype=jnp.float32)
    beta = jnp.zeros((EMB,), dtype=jnp.float32)
    return {"input_ids": input_ids, "token_type_ids": token_type_ids, "W": W, "gamma": gamma, "beta": beta}


def reference(input_ids, token_type_ids, W, gamma, beta):
    d = W.shape[1]
    # word embedding gather (SparseCore-friendly)
    word_embedding = jnp.take(W, input_ids, axis=0)
    word_embedding = word_embedding * jnp.sqrt(jnp.float32(d))
    # segment embedding: token_type_ids repeated over embedding dim
    segment_embedding = jnp.repeat(token_type_ids.astype(word_embedding.dtype)[:, :, None], d, axis=-1)
    input_len = word_embedding.shape[1]
    pos_encoding = positional_encoding(W.shape[0], d)
    embedding = word_embedding + pos_encoding[:, :input_len, :] + segment_embedding[:, :input_len, :]
    # LayerNormalization(epsilon=1e-6)
    mean = jnp.mean(embedding, axis=-1, keepdims=True)
    var = jnp.var(embedding, axis=-1, keepdims=True)
    normed = (embedding - mean) / jnp.sqrt(var + 1e-6)
    out = normed * gamma + beta
    # dropout is identity in inference mode
    return out

if __name__ == "__main__":
    import jax
    _d = setup_inputs()
    print(jax.jit(kernel)(*tuple(_d.values())))

</pallas_src>

<mosaic_0001>
#map = affine_map<(d0, d1) -> (0, 0, 0)>
#map1 = affine_map<(d0, d1) -> (0, 0)>
#map2 = affine_map<(d0, d1) -> (0)>
module attributes {stable_mosaic.version = 14 : i64} {
  func.func @_emb_ln_body(%arg0: i32, %arg1: i32, %arg2: memref<32x50x128xi32, #tpu.memory_space<hbm>>, %arg3: memref<200x128xf32, #tpu.memory_space<hbm>>, %arg4: memref<100000x128xf32, #tpu.memory_space<hbm>>, %arg5: memref<128xf32, #tpu.memory_space<hbm>>, %arg6: memref<128xf32, #tpu.memory_space<hbm>>, %arg7: memref<204800x128xf32, #tpu.memory_space<hbm>>, %arg8: memref<50x128xi32, #tpu.memory_space<vmem>>, %arg9: memref<200x128xf32, #tpu.memory_space<vmem>>, %arg10: memref<128xf32, #tpu.memory_space<vmem>>, %arg11: memref<128xf32, #tpu.memory_space<vmem>>, %arg12: memref<128x128xf32, #tpu.memory_space<vmem>>, %arg13: memref<!tpu.dma_semaphore, #tpu.memory_space<semaphore_mem>>) attributes {dimension_semantics = [#tpu.dimension_semantics<core_parallel>, #tpu.dimension_semantics<subcore_parallel>], iteration_bounds = array<i64: 2, 16>, scalar_prefetch = 0 : i64, scratch_operands = 6 : i64, tpu.core_type = #tpu.core_type<sc_vector_subcore>, window_params = [{transform_indices = #map}, {transform_indices = #map1}, {transform_indices = #map1}, {transform_indices = #map2}, {transform_indices = #map2}, {transform_indices = #map1}]} {
    %mul3A = arith.constant 2 : i32
    %mul3A_0 = arith.muli %arg1, %mul3A : i32
    %add3A = arith.addi %mul3A_0, %arg0 : i32
    %mul3A_1 = arith.constant 6400 : i32
    %mul3A_2 = arith.muli %add3A, %mul3A_1 : i32
    "tpu.region"() ({
      %run_scoped3A = tpu.sem_alloc : memref<!tpu.dma_semaphore, #tpu.memory_space<semaphore_mem>>
      %dma_start3A = arith.constant 0 : i32
      %dma_start3A_8 = arith.constant 0 : i32
      %dma_start3A_9 = tpu.memref_slice %arg2[%add3A, %dma_start3A, %dma_start3A_8] : memref<32x50x128xi32, #tpu.memory_space<hbm>> -> memref<1x50x128xi32, #tpu.memory_space<hbm>>
      %dma_start3A_10 = tpu.memref_squeeze %dma_start3A_9 : memref<1x50x128xi32, #tpu.memory_space<hbm>> -> memref<50x128xi32, #tpu.memory_space<hbm>>
      %dma_start3A_11 = arith.constant 0 : i32
      %dma_start3A_12 = arith.constant 0 : i32
      %dma_start3A_13 = tpu.memref_slice %arg2[%add3A, %dma_start3A_11, %dma_start3A_12] : memref<32x50x128xi32, #tpu.memory_space<hbm>> -> memref<1x50x128xi32, #tpu.memory_space<hbm>>
      %dma_start3A_14 = tpu.memref_squeeze %dma_start3A_13 : memref<1x50x128xi32, #tpu.memory_space<hbm>> -> memref<50x128xi32, #tpu.memory_space<hbm>>
      tpu.enqueue_dma source(%dma_start3A_14 : memref<50x128xi32, #tpu.memory_space<hbm>>) target(%arg8 : memref<50x128xi32, #tpu.memory_space<vmem>>) target_semaphore(%run_scoped3A : memref<!tpu.dma_semaphore, #tpu.memory_space<semaphore_mem>>)
      %dma_wait3A = arith.constant 0 : i32
      %dma_wait3A_15 = arith.constant 0 : i32
      %dma_wait3A_16 = tpu.memref_slice %arg2[%add3A, %dma_wait3A, %dma_wait3A_15] : memref<32x50x128xi32, #tpu.memory_space<hbm>> -> memref<1x50x128xi32, #tpu.memory_space<hbm>>
      %dma_wait3A_17 = tpu.memref_squeeze %dma_wait3A_16 : memref<1x50x128xi32, #tpu.memory_space<hbm>> -> memref<50x128xi32, #tpu.memory_space<hbm>>
      %dma_wait3A_18 = arith.constant 0 : i32
      %dma_wait3A_19 = arith.constant 0 : i32
      %dma_wait3A_20 = tpu.memref_slice %arg2[%add3A, %dma_wait3A_18, %dma_wait3A_19] : memref<32x50x128xi32, #tpu.memory_space<hbm>> -> memref<1x50x128xi32, #tpu.memory_space<hbm>>
      %dma_wait3A_21 = tpu.memref_squeeze %dma_wait3A_20 : memref<1x50x128xi32, #tpu.memory_space<hbm>> -> memref<50x128xi32, #tpu.memory_space<hbm>>
      tpu.wait_dma2 semaphore(%run_scoped3A : memref<!tpu.dma_semaphore, #tpu.memory_space<semaphore_mem>>) src(%dma_wait3A_21 : memref<50x128xi32, #tpu.memory_space<hbm>>) dst(%arg8 : memref<50x128xi32, #tpu.memory_space<vmem>>)
      tpu.yield
    }) : () -> ()
    "tpu.region"() ({
      %run_scoped3A = tpu.sem_alloc : memref<!tpu.dma_semaphore, #tpu.memory_space<semaphore_mem>>
      tpu.enqueue_dma source(%arg3 : memref<200x128xf32, #tpu.memory_space<hbm>>) target(%arg9 : memref<200x128xf32, #tpu.memory_space<vmem>>) target_semaphore(%run_scoped3A : memref<!tpu.dma_semaphore, #tpu.memory_space<semaphore_mem>>)
      tpu.wait_dma2 semaphore(%run_scoped3A : memref<!tpu.dma_semaphore, #tpu.memory_space<semaphore_mem>>) src(%arg3 : memref<200x128xf32, #tpu.memory_space<hbm>>) dst(%arg9 : memref<200x128xf32, #tpu.memory_space<vmem>>)
      tpu.yield
    }) : () -> ()
    "tpu.region"() ({
      %run_scoped3A = tpu.sem_alloc : memref<!tpu.dma_semaphore, #tpu.memory_space<semaphore_mem>>
      tpu.enqueue_dma source(%arg5 : memref<128xf32, #tpu.memory_space<hbm>>) target(%arg10 : memref<128xf32, #tpu.memory_space<vmem>>) target_semaphore(%run_scoped3A : memref<!tpu.dma_semaphore, #tpu.memory_space<semaphore_mem>>)
      tpu.wait_dma2 semaphore(%run_scoped3A : memref<!tpu.dma_semaphore, #tpu.memory_space<semaphore_mem>>) src(%arg5 : memref<128xf32, #tpu.memory_space<hbm>>) dst(%arg10 : memref<128xf32, #tpu.memory_space<vmem>>)
      tpu.yield
    }) : () -> ()
    "tpu.region"() ({
      %run_scoped3A = tpu.sem_alloc : memref<!tpu.dma_semaphore, #tpu.memory_space<semaphore_mem>>
      tpu.enqueue_dma source(%arg6 : memref<128xf32, #tpu.memory_space<hbm>>) target(%arg11 : memref<128xf32, #tpu.memory_space<vmem>>) target_semaphore(%run_scoped3A : memref<!tpu.dma_semaphore, #tpu.memory_space<semaphore_mem>>)
      tpu.wait_dma2 semaphore(%run_scoped3A : memref<!tpu.dma_semaphore, #tpu.memory_space<semaphore_mem>>) src(%arg6 : memref<128xf32, #tpu.memory_space<hbm>>) dst(%arg11 : memref<128xf32, #tpu.memory_space<vmem>>)
      tpu.yield
    }) : () -> ()
    %scan3A = arith.constant 0 : i32
    %scan3A_3 = arith.constant 0 : i32
    %scan3A_4 = arith.constant 50 : i32
    %scan3A_5 = arith.addi %scan3A_3, %scan3A_4 : i32
    %scan3A_6 = arith.constant 1 : i32
    scf.for %scan3A_8 = %scan3A_3 to %scan3A_5 step %scan3A_6  : i32 {
      %dma_start3A = arith.constant 0 : i32
      %dma_start3A_9 = tpu.memref_slice %arg8[%scan3A_8, %dma_start3A] : memref<50x128xi32, #tpu.memory_space<vmem>> -> memref<1x128xi32, #tpu.memory_space<vmem>>
      %dma_start3A_10 = tpu.memref_squeeze %dma_start3A_9 : memref<1x128xi32, #tpu.memory_space<vmem>> -> memref<128xi32, #tpu.memory_space<vmem>>
      %dma_start3A_11 = arith.constant 0 : i32
      %dma_start3A_12 = arith.constant 0 : i32
      %dma_start3A_13 = tpu.memref_slice %arg4[%dma_start3A_11, %dma_start3A_12] : memref<100000x128xf32, #tpu.memory_space<hbm>> -> memref<100000x128xf32, #tpu.memory_space<hbm>>
      tpu.enqueue_indirect_dma source(%dma_start3A_13 : memref<100000x128xf32, #tpu.memory_space<hbm>>) target(%arg12 : memref<128x128xf32, #tpu.memory_space<vmem>>) offsets(%dma_start3A_10 : memref<128xi32, #tpu.memory_space<vmem>>) semaphore(%arg13 : memref<!tpu.dma_semaphore, #tpu.memory_space<semaphore_mem>>)
      %dma_wait3A = arith.constant 0 : i32
      %dma_wait3A_14 = tpu.memref_slice %arg8[%scan3A_8, %dma_wait3A] : memref<50x128xi32, #tpu.memory_space<vmem>> -> memref<1x128xi32, #tpu.memory_space<vmem>>
      %dma_wait3A_15 = tpu.memref_squeeze %dma_wait3A_14 : memref<1x128xi32, #tpu.memory_space<vmem>> -> memref<128xi32, #tpu.memory_space<vmem>>
      %dma_wait3A_16 = arith.constant 0 : i32
      %dma_wait3A_17 = arith.constant 0 : i32
      %dma_wait3A_18 = tpu.memref_slice %arg4[%dma_wait3A_16, %dma_wait3A_17] : memref<100000x128xf32, #tpu.memory_space<hbm>> -> memref<100000x128xf32, #tpu.memory_space<hbm>>
      tpu.wait_indirect_dma semaphore(%arg13 : memref<!tpu.dma_semaphore, #tpu.memory_space<semaphore_mem>>) src(%dma_wait3A_18 : memref<100000x128xf32, #tpu.memory_space<hbm>>) dst(%arg12 : memref<128x128xf32, #tpu.memory_space<vmem>>)
      %scan3A_19 = arith.constant 0 : i32
      %scan3A_20 = arith.constant 0 : i32
      %scan3A_21 = arith.constant 128 : i32
      %scan3A_22 = arith.addi %scan3A_20, %scan3A_21 : i32
      %scan3A_23 = arith.constant 1 : i32
      scf.for %scan3A_28 = %scan3A_20 to %scan3A_22 step %scan3A_23  : i32 {
        %mul3A_29 = arith.constant 128 : i32
        %mul3A_30 = arith.muli %scan3A_8, %mul3A_29 : i32
        %add3A_31 = arith.addi %mul3A_30, %scan3A_28 : i32
        %rem3A = arith.constant 200 : i32
        %rem3A_32 = arith.remsi %add3A_31, %rem3A : i32
        %get3A = arith.index_cast %scan3A_28 : i32 to index
        %get3A_33 = arith.constant 0 : index
        %get3A_34 = tpu.vector_load %arg12[%get3A, %get3A_33] {strides = array<i32>} : memref<128x128xf32, #tpu.memory_space<vmem>>, vector<1x16xf32>,
        %get3A_35 = vector.shape_cast %get3A_34 : vector<1x16xf32> to vector<16xf32>
        %get3A_36 = arith.index_cast %rem3A_32 : i32 to index
        %get3A_37 = arith.constant 0 : index
        %get3A_38 = tpu.vector_load %arg9[%get3A_36, %get3A_37] {strides = array<i32>} : memref<200x128xf32, #tpu.memory_space<vmem>>, vector<1x16xf32>,
        %get3A_39 = vector.shape_cast %get3A_38 : vector<1x16xf32> to vector<16xf32>
        %add3A_40 = arith.addf %get3A_35, %get3A_39 : vector<16xf32>
        %get3A_41 = arith.index_cast %scan3A_28 : i32 to index
        %get3A_42 = arith.constant 16 : index
        %get3A_43 = tpu.vector_load %arg12[%get3A_41, %get3A_42] {strides = array<i32>} : memref<128x128xf32, #tpu.memory_space<vmem>>, vector<1x16xf32>,
        %get3A_44 = vector.shape_cast %get3A_43 : vector<1x16xf32> to vector<16xf32>
        %get3A_45 = arith.index_cast %rem3A_32 : i32 to index
        %get3A_46 = arith.constant 16 : index
        %get3A_47 = tpu.vector_load %arg9[%get3A_45, %get3A_46] {strides = array<i32>} : memref<200x128xf32, #tpu.memory_space<vmem>>, vector<1x16xf32>,
        %get3A_48 = vector.shape_cast %get3A_47 : vector<1x16xf32> to vector<16xf32>
        %add3A_49 = arith.addf %get3A_44, %get3A_48 : vector<16xf32>
        %get3A_50 = arith.index_cast %scan3A_28 : i32 to index
        %get3A_51 = arith.constant 32 : index
        %get3A_52 = tpu.vector_load %arg12[%get3A_50, %get3A_51] {strides = array<i32>} : memref<128x128xf32, #tpu.memory_space<vmem>>, vector<1x16xf32>,
        %get3A_53 = vector.shape_cast %get3A_52 : vector<1x16xf32> to vector<16xf32>
        %get3A_54 = arith.index_cast %rem3A_32 : i32 to index
        %get3A_55 = arith.constant 32 : index
        %get3A_56 = tpu.vector_load %arg9[%get3A_54, %get3A_55] {strides = array<i32>} : memref<200x128xf32, #tpu.memory_space<vmem>>, vector<1x16xf32>,
        %get3A_57 = vector.shape_cast %get3A_56 : vector<1x16xf32> to vector<16xf32>
        %add3A_58 = arith.addf %get3A_53, %get3A_57 : vector<16xf32>
        %get3A_59 = arith.index_cast %scan3A_28 : i32 to index
        %get3A_60 = arith.constant 48 : index
        %get3A_61 = tpu.vector_load %arg12[%get3A_59, %get3A_60] {strides = array<i32>} : memref<128x128xf32, #tpu.memory_space<vmem>>, vector<1x16xf32>,
        %get3A_62 = vector.shape_cast %get3A_61 : vector<1x16xf32> to vector<16xf32>
        %get3A_63 = arith.index_cast %rem3A_32 : i32 to index
        %get3A_64 = arith.constant 48 : index
        %get3A_65 = tpu.vector_load %arg9[%get3A_63, %get3A_64] {strides = array<i32>} : memref<200x128xf32, #tpu.memory_space<vmem>>, vector<1x16xf32>,
        %get3A_66 = vector.shape_cast %get3A_65 : vector<1x16xf32> to vector<16xf32>
        %add3A_67 = arith.addf %get3A_62, %get3A_66 : vector<16xf32>
        %get3A_68 = arith.index_cast %scan3A_28 : i32 to index
        %get3A_69 = arith.constant 64 : index
        %get3A_70 = tpu.vector_load %arg12[%get3A_68, %get3A_69] {strides = array<i32>} : memref<128x128xf32, #tpu.memory_space<vmem>>, vector<1x16xf32>,
        %get3A_71 = vector.shape_cast %get3A_70 : vector<1x16xf32> to vector<16xf32>
        %get3A_72 = arith.index_cast %rem3A_32 : i32 to index
        %get3A_73 = arith.constant 64 : index
        %get3A_74 = tpu.vector_load %arg9[%get3A_72, %get3A_73] {strides = array<i32>} : memref<200x128xf32, #tpu.memory_space<vmem>>, vector<1x16xf32>,
        %get3A_75 = vector.shape_cast %get3A_74 : vector<1x16xf32> to vector<16xf32>
        %add3A_76 = arith.addf %get3A_71, %get3A_75 : vector<16xf32>
        %get3A_77 = arith.index_cast %scan3A_28 : i32 to index
        %get3A_78 = arith.constant 80 : index
        %get3A_79 = tpu.vector_load %arg12[%get3A_77, %get3A_78] {strides = array<i32>} : memref<128x128xf32, #tpu.memory_space<vmem>>, vector<1x16xf32>,
        %get3A_80 = vector.shape_cast %get3A_79 : vector<1x16xf32> to vector<16xf32>
        %get3A_81 = arith.index_cast %rem3A_32 : i32 to index
        %get3A_82 = arith.constant 80 : index
        %get3A_83 = tpu.vector_load %arg9[%get3A_81, %get3A_82] {strides = array<i32>} : memref<200x128xf32, #tpu.memory_space<vmem>>, vector<1x16xf32>,
        %get3A_84 = vector.shape_cast %get3A_83 : vector<1x16xf32> to vector<16xf32>
        %add3A_85 = arith.addf %get3A_80, %get3A_84 : vector<16xf32>
        %get3A_86 = arith.index_cast %scan3A_28 : i32 to index
        %get3A_87 = arith.constant 96 : index
        %get3A_88 = tpu.vector_load %arg12[%get3A_86, %get3A_87] {strides = array<i32>} : memref<128x128xf32, #tpu.memory_space<vmem>>, vector<1x16xf32>,
        %get3A_89 = vector.shape_cast %get3A_88 : vector<1x16xf32> to vector<16xf32>
        %get3A_90 = arith.index_cast %rem3A_32 : i32 to index
        %get3A_91 = arith.constant 96 : index
        %get3A_92 = tpu.vector_load %arg9[%get3A_90, %get3A_91] {strides = array<i32>} : memref<200x128xf32, #tpu.memory_space<vmem>>, vector<1x16xf32>,
        %get3A_93 = vector.shape_cast %get3A_92 : vector<1x16xf32> to vector<16xf32>
        %add3A_94 = arith.addf %get3A_89, %get3A_93 : vector<16xf32>
        %get3A_95 = arith.index_cast %scan3A_28 : i32 to index
        %get3A_96 = arith.constant 112 : index
        %get3A_97 = tpu.vector_load %arg12[%get3A_95, %get3A_96] {strides = array<i32>} : memref<128x128xf32, #tpu.memory_space<vmem>>, vector<1x16xf32>,
        %get3A_98 = vector.shape_cast %get3A_97 : vector<1x16xf32> to vector<16xf32>
        %get3A_99 = arith.index_cast %rem3A_32 : i32 to index
        %get3A_100 = arith.constant 112 : index
        %get3A_101 = tpu.vector_load %arg9[%get3A_99, %get3A_100] {strides = array<i32>} : memref<200x128xf32, #tpu.memory_space<vmem>>, vector<1x16xf32>,
        %get3A_102 = vector.shape_cast %get3A_101 : vector<1x16xf32> to vector<16xf32>
        %add3A_103 = arith.addf %get3A_98, %get3A_102 : vector<16xf32>
        %add3A_104 = arith.addf %add3A_40, %add3A_49 : vector<16xf32>
        %add3A_105 = arith.addf %add3A_104, %add3A_58 : vector<16xf32>
        %add3A_106 = arith.addf %add3A_105, %add3A_67 : vector<16xf32>
        %add3A_107 = arith.addf %add3A_106, %add3A_76 : vector<16xf32>
        %add3A_108 = arith.addf %add3A_107, %add3A_85 : vector<16xf32>
        %add3A_109 = arith.addf %add3A_108, %add3A_94 : vector<16xf32>
        %add3A_110 = arith.addf %add3A_109, %add3A_103 : vector<16xf32>
        %mul3A_111 = arith.mulf %add3A_40, %add3A_40 : vector<16xf32>
        %mul3A_112 = arith.mulf %add3A_49, %add3A_49 : vector<16xf32>
        %add3A_113 = arith.addf %mul3A_111, %mul3A_112 : vector<16xf32>
        %mul3A_114 = arith.mulf %add3A_58, %add3A_58 : vector<16xf32>
        %add3A_115 = arith.addf %add3A_113, %mul3A_114 : vector<16xf32>
        %mul3A_116 = arith.mulf %add3A_67, %add3A_67 : vector<16xf32>
        %add3A_117 = arith.addf %add3A_115, %mul3A_116 : vector<16xf32>
        %mul3A_118 = arith.mulf %add3A_76, %add3A_76 : vector<16xf32>
        %add3A_119 = arith.addf %add3A_117, %mul3A_118 : vector<16xf32>
        %mul3A_120 = arith.mulf %add3A_85, %add3A_85 : vector<16xf32>
        %add3A_121 = arith.addf %add3A_119, %mul3A_120 : vector<16xf32>
        %mul3A_122 = arith.mulf %add3A_94, %add3A_94 : vector<16xf32>
        %add3A_123 = arith.addf %add3A_121, %mul3A_122 : vector<16xf32>
        %mul3A_124 = arith.mulf %add3A_103, %add3A_103 : vector<16xf32>
        %add3A_125 = arith.addf %add3A_123, %mul3A_124 : vector<16xf32>
        %iota3A = tpu.iota {dimensions = array<i32: 0>} : vector<16xi32>
        %xor3A = arith.constant 8 : i32
        %xor3A_126 = vector.broadcast %xor3A : i32 to vector<16xi32>
        %xor3A_127 = arith.xori %iota3A, %xor3A_126 : vector<16xi32>
        %broadcast_in_dim3A = vector.shape_cast %xor3A_127 : vector<16xi32> to vector<16x1xi32>
        %gather3A = vector.shape_cast %broadcast_in_dim3A : vector<16x1xi32> to vector<16xi32>
        %gather3A_128 = tpu.dynamic_gather %add3A_110[%gather3A] in [0] : vector<16xf32>, vector<16xi32> -> vector<16xf32>
        %add3A_129 = arith.addf %add3A_110, %gather3A_128 : vector<16xf32>
        %xor3A_130 = arith.constant 4 : i32
        %xor3A_131 = vector.broadcast %xor3A_130 : i32 to vector<16xi32>
        %xor3A_132 = arith.xori %iota3A, %xor3A_131 : vector<16xi32>
        %broadcast_in_dim3A_133 = vector.shape_cast %xor3A_132 : vector<16xi32> to vector<16x1xi32>
        %gather3A_134 = vector.shape_cast %broadcast_in_dim3A_133 : vector<16x1xi32> to vector<16xi32>
        %gather3A_135 = tpu.dynamic_gather %add3A_129[%gather3A_134] in [0] : vector<16xf32>, vector<16xi32> -> vector<16xf32>
        %add3A_136 = arith.addf %add3A_129, %gather3A_135 : vector<16xf32>
        %xor3A_137 = arith.constant 2 : i32
        %xor3A_138 = vector.broadcast %xor3A_137 : i32 to vector<16xi32>
        %xor3A_139 = arith.xori %iota3A, %xor3A_138 : vector<16xi32>
        %broadcast_in_dim3A_140 = vector.shape_cast %xor3A_139 : vector<16xi32> to vector<16x1xi32>
        %gather3A_141 = vector.shape_cast %broadcast_in_dim3A_140 : vector<16x1xi32> to vector<16xi32>
        %gather3A_142 = tpu.dynamic_gather %add3A_136[%gather3A_141] in [0] : vector<16xf32>, vector<16xi32> -> vector<16xf32>
        %add3A_143 = arith.addf %add3A_136, %gather3A_142 : vector<16xf32>
        %xor3A_144 = arith.constant 1 : i32
        %xor3A_145 = vector.broadcast %xor3A_144 : i32 to vector<16xi32>
        %xor3A_146 = arith.xori %iota3A, %xor3A_145 : vector<16xi32>
        %broadcast_in_dim3A_147 = vector.shape_cast %xor3A_146 : vector<16xi32> to vector<16x1xi32>
        %gather3A_148 = vector.shape_cast %broadcast_in_dim3A_147 : vector<16x1xi32> to vector<16xi32>
        %gather3A_149 = tpu.dynamic_gather %add3A_143[%gather3A_148] in [0] : vector<16xf32>, vector<16xi32> -> vector<16xf32>
        %add3A_150 = arith.addf %add3A_143, %gather3A_149 : vector<16xf32>
        %mul3A_151 = arith.constant 7.812500e-03 : f32
        %mul3A_152 = vector.broadcast %mul3A_151 : f32 to vector<16xf32>
        %mul3A_153 = arith.mulf %add3A_150, %mul3A_152 : vector<16xf32>
        %iota3A_154 = tpu.iota {dimensions = array<i32: 0>} : vector<16xi32>
        %xor3A_155 = arith.constant 8 : i32
        %xor3A_156 = vector.broadcast %xor3A_155 : i32 to vector<16xi32>
        %xor3A_157 = arith.xori %iota3A_154, %xor3A_156 : vector<16xi32>
        %broadcast_in_dim3A_158 = vector.shape_cast %xor3A_157 : vector<16xi32> to vector<16x1xi32>
        %gather3A_159 = vector.shape_cast %broadcast_in_dim3A_158 : vector<16x1xi32> to vector<16xi32>
        %gather3A_160 = tpu.dynamic_gather %add3A_125[%gather3A_159] in [0] : vector<16xf32>, vector<16xi32> -> vector<16xf32>
        %add3A_161 = arith.addf %add3A_125, %gather3A_160 : vector<16xf32>
        %xor3A_162 = arith.constant 4 : i32
        %xor3A_163 = vector.broadcast %xor3A_162 : i32 to vector<16xi32>
        %xor3A_164 = arith.xori %iota3A_154, %xor3A_163 : vector<16xi32>
        %broadcast_in_dim3A_165 = vector.shape_cast %xor3A_164 : vector<16xi32> to vector<16x1xi32>
        %gather3A_166 = vector.shape_cast %broadcast_in_dim3A_165 : vector<16x1xi32> to vector<16xi32>
        %gather3A_167 = tpu.dynamic_gather %add3A_161[%gather3A_166] in [0] : vector<16xf32>, vector<16xi32> -> vector<16xf32>
        %add3A_168 = arith.addf %add3A_161, %gather3A_167 : vector<16xf32>
        %xor3A_169 = arith.constant 2 : i32
        %xor3A_170 = vector.broadcast %xor3A_169 : i32 to vector<16xi32>
        %xor3A_171 = arith.xori %iota3A_154, %xor3A_170 : vector<16xi32>
        %broadcast_in_dim3A_172 = vector.shape_cast %xor3A_171 : vector<16xi32> to vector<16x1xi32>
        %gather3A_173 = vector.shape_cast %broadcast_in_dim3A_172 : vector<16x1xi32> to vector<16xi32>
        %gather3A_174 = tpu.dynamic_gather %add3A_168[%gather3A_173] in [0] : vector<16xf32>, vector<16xi32> -> vector<16xf32>
        %add3A_175 = arith.addf %add3A_168, %gather3A_174 : vector<16xf32>
        %xor3A_176 = arith.constant 1 : i32
        %xor3A_177 = vector.broadcast %xor3A_176 : i32 to vector<16xi32>
        %xor3A_178 = arith.xori %iota3A_154, %xor3A_177 : vector<16xi32>
        %broadcast_in_dim3A_179 = vector.shape_cast %xor3A_178 : vector<16xi32> to vector<16x1xi32>
        %gather3A_180 = vector.shape_cast %broadcast_in_dim3A_179 : vector<16x1xi32> to vector<16xi32>
        %gather3A_181 = tpu.dynamic_gather %add3A_175[%gather3A_180] in [0] : vector<16xf32>, vector<16xi32> -> vector<16xf32>
        %add3A_182 = arith.addf %add3A_175, %gather3A_181 : vector<16xf32>
        %mul3A_183 = arith.constant 7.812500e-03 : f32
        %mul3A_184 = vector.broadcast %mul3A_183 : f32 to vector<16xf32>
        %mul3A_185 = arith.mulf %add3A_182, %mul3A_184 : vector<16xf32>
        %mul3A_186 = arith.mulf %mul3A_153, %mul3A_153 : vector<16xf32>
        %sub3A = arith.subf %mul3A_185, %mul3A_186 : vector<16xf32>
        %add3A_187 = arith.constant 9.99999997E-7 : f32
        %add3A_188 = vector.broadcast %add3A_187 : f32 to vector<16xf32>
        %add3A_189 = arith.addf %sub3A, %add3A_188 : vector<16xf32>
        %bitcast_convert_type3A = tpu.bitcast %add3A_189 : vector<16xf32> -> vector<16xi32>
        %shift_right_logical3A = arith.constant 1 : i32
        %shift_right_logical3A_190 = vector.broadcast %shift_right_logical3A : i32 to vector<16xi32>
        %shift_right_logical3A_191 = arith.shrui %bitcast_convert_type3A, %shift_right_logical3A_190 : vector<16xi32>
        %sub3A_192 = arith.constant 1597463007 : i32
        %sub3A_193 = vector.broadcast %sub3A_192 : i32 to vector<16xi32>
        %sub3A_194 = arith.subi %sub3A_193, %shift_right_logical3A_191 : vector<16xi32>
        %bitcast_convert_type3A_195 = tpu.bitcast %sub3A_194 : vector<16xi32> -> vector<16xf32>
        %mul3A_196 = arith.constant 5.000000e-01 : f32
        %mul3A_197 = vector.broadcast %mul3A_196 : f32 to vector<16xf32>
        %mul3A_198 = arith.mulf %mul3A_197, %add3A_189 : vector<16xf32>
        %mul3A_199 = arith.mulf %mul3A_198, %bitcast_convert_type3A_195 : vector<16xf32>
        %mul3A_200 = arith.mulf %mul3A_199, %bitcast_convert_type3A_195 : vector<16xf32>
        %sub3A_201 = arith.constant 1.500000e+00 : f32
        %sub3A_202 = vector.broadcast %sub3A_201 : f32 to vector<16xf32>
        %sub3A_203 = arith.subf %sub3A_202, %mul3A_200 : vector<16xf32>
        %mul3A_204 = arith.mulf %bitcast_convert_type3A_195, %sub3A_203 : vector<16xf32>
        %mul3A_205 = arith.constant 5.000000e-01 : f32
        %mul3A_206 = vector.broadcast %mul3A_205 : f32 to vector<16xf32>
        %mul3A_207 = arith.mulf %mul3A_206, %add3A_189 : vector<16xf32>
        %mul3A_208 = arith.mulf %mul3A_207, %mul3A_204 : vector<16xf32>
        %mul3A_209 = arith.mulf %mul3A_208, %mul3A_204 : vector<16xf32>
        %sub3A_210 = arith.constant 1.500000e+00 : f32
        %sub3A_211 = vector.broadcast %sub3A_210 : f32 to vector<16xf32>
        %sub3A_212 = arith.subf %sub3A_211, %mul3A_209 : vector<16xf32>
        %mul3A_213 = arith.mulf %mul3A_204, %sub3A_212 : vector<16xf32>
        %mul3A_214 = arith.constant 5.000000e-01 : f32
        %mul3A_215 = vector.broadcast %mul3A_214 : f32 to vector<16xf32>
        %mul3A_216 = arith.mulf %mul3A_215, %add3A_189 : vector<16xf32>
        %mul3A_217 = arith.mulf %mul3A_216, %mul3A_213 : vector<16xf32>
        %mul3A_218 = arith.mulf %mul3A_217, %mul3A_213 : vector<16xf32>
        %sub3A_219 = arith.constant 1.500000e+00 : f32
        %sub3A_220 = vector.broadcast %sub3A_219 : f32 to vector<16xf32>
        %sub3A_221 = arith.subf %sub3A_220, %mul3A_218 : vector<16xf32>
        %mul3A_222 = arith.mulf %mul3A_213, %sub3A_221 : vector<16xf32>
        %get3A_223 = arith.constant 0 : index
        %get3A_224 = tpu.vector_load %arg10[%get3A_223] {strides = array<i32>} : memref<128xf32, #tpu.memory_space<vmem>>, vector<16xf32>,
        %get3A_225 = vector.shape_cast %get3A_224 : vector<16xf32> to vector<16xf32>
        %get3A_226 = arith.constant 0 : index
        %get3A_227 = tpu.vector_load %arg11[%get3A_226] {strides = array<i32>} : memref<128xf32, #tpu.memory_space<vmem>>, vector<16xf32>,
        %get3A_228 = vector.shape_cast %get3A_227 : vector<16xf32> to vector<16xf32>
        %sub3A_229 = arith.subf %add3A_40, %mul3A_153 : vector<16xf32>
        %mul3A_230 = arith.mulf %sub3A_229, %mul3A_222 : vector<16xf32>
        %mul3A_231 = arith.mulf %mul3A_230, %get3A_225 : vector<16xf32>
        %add3A_232 = arith.addf %mul3A_231, %get3A_228 : vector<16xf32>
        %swap3A = arith.index_cast %scan3A_28 : i32 to index
        %swap3A_233 = arith.constant 0 : index
        %swap3A_234 = tpu.vector_load %arg12[%swap3A, %swap3A_233] {strides = array<i32>} : memref<128x128xf32, #tpu.memory_space<vmem>>, vector<1x16xf32>,
        %swap3A_235 = vector.shape_cast %swap3A_234 : vector<1x16xf32> to vector<16xf32>
        %swap3A_236 = vector.shape_cast %add3A_232 : vector<16xf32> to vector<1x16xf32>
        tpu.vector_store %arg12[%swap3A, %swap3A_233], %swap3A_236 {strides = array<i32>} : memref<128x128xf32, #tpu.memory_space<vmem>>, vector<1x16xf32>,
        %get3A_237 = arith.constant 16 : index
        %get3A_238 = tpu.vector_load %arg10[%get3A_237] {strides = array<i32>} : memref<128xf32, #tpu.memory_space<vmem>>, vector<16xf32>,
        %get3A_239 = vector.shape_cast %get3A_238 : vector<16xf32> to vector<16xf32>
        %get3A_240 = arith.constant 16 : index
        %get3A_241 = tpu.vector_load %arg11[%get3A_240] {strides = array<i32>} : memref<128xf32, #tpu.memory_space<vmem>>, vector<16xf32>,
        %get3A_242 = vector.shape_cast %get3A_241 : vector<16xf32> to vector<16xf32>
        %sub3A_243 = arith.subf %add3A_49, %mul3A_153 : vector<16xf32>
        %mul3A_244 = arith.mulf %sub3A_243, %mul3A_222 : vector<16xf32>
        %mul3A_245 = arith.mulf %mul3A_244, %get3A_239 : vector<16xf32>
        %add3A_246 = arith.addf %mul3A_245, %get3A_242 : vector<16xf32>
        %swap3A_247 = arith.index_cast %scan3A_28 : i32 to index
        %swap3A_248 = arith.constant 16 : index
        %swap3A_249 = tpu.vector_load %arg12[%swap3A_247, %swap3A_248] {strides = array<i32>} : memref<128x128xf32, #tpu.memory_space<vmem>>, vector<1x16xf32>,
        %swap3A_250 = vector.shape_cast %swap3A_249 : vector<1x16xf32> to vector<16xf32>
        %swap3A_251 = vector.shape_cast %add3A_246 : vector<16xf32> to vector<1x16xf32>
        tpu.vector_store %arg12[%swap3A_247, %swap3A_248], %swap3A_251 {strides = array<i32>} : memref<128x128xf32, #tpu.memory_space<vmem>>, vector<1x16xf32>,
        %get3A_252 = arith.constant 32 : index
        %get3A_253 = tpu.vector_load %arg10[%get3A_252] {strides = array<i32>} : memref<128xf32, #tpu.memory_space<vmem>>, vector<16xf32>,
        %get3A_254 = vector.shape_cast %get3A_253 : vector<16xf32> to vector<16xf32>
        %get3A_255 = arith.constant 32 : index
        %get3A_256 = tpu.vector_load %arg11[%get3A_255] {strides = array<i32>} : memref<128xf32, #tpu.memory_space<vmem>>, vector<16xf32>,
        %get3A_257 = vector.shape_cast %get3A_256 : vector<16xf32> to vector<16xf32>
        %sub3A_258 = arith.subf %add3A_58, %mul3A_153 : vector<16xf32>
        %mul3A_259 = arith.mulf %sub3A_258, %mul3A_222 : vector<16xf32>
        %mul3A_260 = arith.mulf %mul3A_259, %get3A_254 : vector<16xf32>
        %add3A_261 = arith.addf %mul3A_260, %get3A_257 : vector<16xf32>
        %swap3A_262 = arith.index_cast %scan3A_28 : i32 to index
        %swap3A_263 = arith.constant 32 : index
        %swap3A_264 = tpu.vector_load %arg12[%swap3A_262, %swap3A_263] {strides = array<i32>} : memref<128x128xf32, #tpu.memory_space<vmem>>, vector<1x16xf32>,
        %swap3A_265 = vector.shape_cast %swap3A_264 : vector<1x16xf32> to vector<16xf32>
        %swap3A_266 = vector.shape_cast %add3A_261 : vector<16xf32> to vector<1x16xf32>
        tpu.vector_store %arg12[%swap3A_262, %swap3A_263], %swap3A_266 {strides = array<i32>} : memref<128x128xf32, #tpu.memory_space<vmem>>, vector<1x16xf32>,
        %get3A_267 = arith.constant 48 : index
        %get3A_268 = tpu.vector_load %arg10[%get3A_267] {strides = array<i32>} : memref<128xf32, #tpu.memory_space<vmem>>, vector<16xf32>,
        %get3A_269 = vector.shape_cast %get3A_268 : vector<16xf32> to vector<16xf32>
        %get3A_270 = arith.constant 48 : index
        %get3A_271 = tpu.vector_load %arg11[%get3A_270] {strides = array<i32>} : memref<128xf32, #tpu.memory_space<vmem>>, vector<16xf32>,
        %get3A_272 = vector.shape_cast %get3A_271 : vector<16xf32> to vector<16xf32>
        %sub3A_273 = arith.subf %add3A_67, %mul3A_153 : vector<16xf32>
        %mul3A_274 = arith.mulf %sub3A_273, %mul3A_222 : vector<16xf32>
        %mul3A_275 = arith.mulf %mul3A_274, %get3A_269 : vector<16xf32>
        %add3A_276 = arith.addf %mul3A_275, %get3A_272 : vector<16xf32>
        %swap3A_277 = arith.index_cast %scan3A_28 : i32 to index
        %swap3A_278 = arith.constant 48 : index
        %swap3A_279 = tpu.vector_load %arg12[%swap3A_277, %swap3A_278] {strides = array<i32>} : memref<128x128xf32, #tpu.memory_space<vmem>>, vector<1x16xf32>,
        %swap3A_280 = vector.shape_cast %swap3A_279 : vector<1x16xf32> to vector<16xf32>
        %swap3A_281 = vector.shape_cast %add3A_276 : vector<16xf32> to vector<1x16xf32>
        tpu.vector_store %arg12[%swap3A_277, %swap3A_278], %swap3A_281 {strides = array<i32>} : memref<128x128xf32, #tpu.memory_space<vmem>>, vector<1x16xf32>,
        %get3A_282 = arith.constant 64 : index
        %get3A_283 = tpu.vector_load %arg10[%get3A_282] {strides = array<i32>} : memref<128xf32, #tpu.memory_space<vmem>>, vector<16xf32>,
        %get3A_284 = vector.shape_cast %get3A_283 : vector<16xf32> to vector<16xf32>
        %get3A_285 = arith.constant 64 : index
        %get3A_286 = tpu.vector_load %arg11[%get3A_285] {strides = array<i32>} : memref<128xf32, #tpu.memory_space<vmem>>, vector<16xf32>,
        %get3A_287 = vector.shape_cast %get3A_286 : vector<16xf32> to vector<16xf32>
        %sub3A_288 = arith.subf %add3A_76, %mul3A_153 : vector<16xf32>
        %mul3A_289 = arith.mulf %sub3A_288, %mul3A_222 : vector<16xf32>
        %mul3A_290 = arith.mulf %mul3A_289, %get3A_284 : vector<16xf32>
        %add3A_291 = arith.addf %mul3A_290, %get3A_287 : vector<16xf32>
        %swap3A_292 = arith.index_cast %scan3A_28 : i32 to index
        %swap3A_293 = arith.constant 64 : index
        %swap3A_294 = tpu.vector_load %arg12[%swap3A_292, %swap3A_293] {strides = array<i32>} : memref<128x128xf32, #tpu.memory_space<vmem>>, vector<1x16xf32>,
        %swap3A_295 = vector.shape_cast %swap3A_294 : vector<1x16xf32> to vector<16xf32>
        %swap3A_296 = vector.shape_cast %add3A_291 : vector<16xf32> to vector<1x16xf32>
        tpu.vector_store %arg12[%swap3A_292, %swap3A_293], %swap3A_296 {strides = array<i32>} : memref<128x128xf32, #tpu.memory_space<vmem>>, vector<1x16xf32>,
        %get3A_297 = arith.constant 80 : index
        %get3A_298 = tpu.vector_load %arg10[%get3A_297] {strides = array<i32>} : memref<128xf32, #tpu.memory_space<vmem>>, vector<16xf32>,
        %get3A_299 = vector.shape_cast %get3A_298 : vector<16xf32> to vector<16xf32>
        %get3A_300 = arith.constant 80 : index
        %get3A_301 = tpu.vector_load %arg11[%get3A_300] {strides = array<i32>} : memref<128xf32, #tpu.memory_space<vmem>>, vector<16xf32>,
        %get3A_302 = vector.shape_cast %get3A_301 : vector<16xf32> to vector<16xf32>
        %sub3A_303 = arith.subf %add3A_85, %mul3A_153 : vector<16xf32>
        %mul3A_304 = arith.mulf %sub3A_303, %mul3A_222 : vector<16xf32>
        %mul3A_305 = arith.mulf %mul3A_304, %get3A_299 : vector<16xf32>
        %add3A_306 = arith.addf %mul3A_305, %get3A_302 : vector<16xf32>
        %swap3A_307 = arith.index_cast %scan3A_28 : i32 to index
        %swap3A_308 = arith.constant 80 : index
        %swap3A_309 = tpu.vector_load %arg12[%swap3A_307, %swap3A_308] {strides = array<i32>} : memref<128x128xf32, #tpu.memory_space<vmem>>, vector<1x16xf32>,
        %swap3A_310 = vector.shape_cast %swap3A_309 : vector<1x16xf32> to vector<16xf32>
        %swap3A_311 = vector.shape_cast %add3A_306 : vector<16xf32> to vector<1x16xf32>
        tpu.vector_store %arg12[%swap3A_307, %swap3A_308], %swap3A_311 {strides = array<i32>} : memref<128x128xf32, #tpu.memory_space<vmem>>, vector<1x16xf32>,
        %get3A_312 = arith.constant 96 : index
        %get3A_313 = tpu.vector_load %arg10[%get3A_312] {strides = array<i32>} : memref<128xf32, #tpu.memory_space<vmem>>, vector<16xf32>,
        %get3A_314 = vector.shape_cast %get3A_313 : vector<16xf32> to vector<16xf32>
        %get3A_315 = arith.constant 96 : index
        %get3A_316 = tpu.vector_load %arg11[%get3A_315] {strides = array<i32>} : memref<128xf32, #tpu.memory_space<vmem>>, vector<16xf32>,
        %get3A_317 = vector.shape_cast %get3A_316 : vector<16xf32> to vector<16xf32>
        %sub3A_318 = arith.subf %add3A_94, %mul3A_153 : vector<16xf32>
        %mul3A_319 = arith.mulf %sub3A_318, %mul3A_222 : vector<16xf32>
        %mul3A_320 = arith.mulf %mul3A_319, %get3A_314 : vector<16xf32>
        %add3A_321 = arith.addf %mul3A_320, %get3A_317 : vector<16xf32>
        %swap3A_322 = arith.index_cast %scan3A_28 : i32 to index
        %swap3A_323 = arith.constant 96 : index
        %swap3A_324 = tpu.vector_load %arg12[%swap3A_322, %swap3A_323] {strides = array<i32>} : memref<128x128xf32, #tpu.memory_space<vmem>>, vector<1x16xf32>,
        %swap3A_325 = vector.shape_cast %swap3A_324 : vector<1x16xf32> to vector<16xf32>
        %swap3A_326 = vector.shape_cast %add3A_321 : vector<16xf32> to vector<1x16xf32>
        tpu.vector_store %arg12[%swap3A_322, %swap3A_323], %swap3A_326 {strides = array<i32>} : memref<128x128xf32, #tpu.memory_space<vmem>>, vector<1x16xf32>,
        %get3A_327 = arith.constant 112 : index
        %get3A_328 = tpu.vector_load %arg10[%get3A_327] {strides = array<i32>} : memref<128xf32, #tpu.memory_space<vmem>>, vector<16xf32>,
        %get3A_329 = vector.shape_cast %get3A_328 : vector<16xf32> to vector<16xf32>
        %get3A_330 = arith.constant 112 : index
        %get3A_331 = tpu.vector_load %arg11[%get3A_330] {strides = array<i32>} : memref<128xf32, #tpu.memory_space<vmem>>, vector<16xf32>,
        %get3A_332 = vector.shape_cast %get3A_331 : vector<16xf32> to vector<16xf32>
        %sub3A_333 = arith.subf %add3A_103, %mul3A_153 : vector<16xf32>
        %mul3A_334 = arith.mulf %sub3A_333, %mul3A_222 : vector<16xf32>
        %mul3A_335 = arith.mulf %mul3A_334, %get3A_329 : vector<16xf32>
        %add3A_336 = arith.addf %mul3A_335, %get3A_332 : vector<16xf32>
        %swap3A_337 = arith.index_cast %scan3A_28 : i32 to index
        %swap3A_338 = arith.constant 112 : index
        %swap3A_339 = tpu.vector_load %arg12[%swap3A_337, %swap3A_338] {strides = array<i32>} : memref<128x128xf32, #tpu.memory_space<vmem>>, vector<1x16xf32>,
        %swap3A_340 = vector.shape_cast %swap3A_339 : vector<1x16xf32> to vector<16xf32>
        %swap3A_341 = vector.shape_cast %add3A_336 : vector<16xf32> to vector<1x16xf32>
        tpu.vector_store %arg12[%swap3A_337, %swap3A_338], %swap3A_341 {strides = array<i32>} : memref<128x128xf32, #tpu.memory_space<vmem>>, vector<1x16xf32>,
      }
      %scan3A_24 = arith.constant 128 : i32
      %mul3A_25 = arith.constant 128 : i32
      %mul3A_26 = arith.muli %scan3A_8, %mul3A_25 : i32
      %add3A_27 = arith.addi %mul3A_2, %mul3A_26 : i32
      "tpu.region"() ({
        %run_scoped3A = tpu.sem_alloc : memref<!tpu.dma_semaphore, #tpu.memory_space<semaphore_mem>>
        %dma_start3A_28 = arith.constant 0 : i32
        %dma_start3A_29 = tpu.memref_slice %arg7[%add3A_27, %dma_start3A_28] : memref<204800x128xf32, #tpu.memory_space<hbm>> -> memref<128x128xf32, #tpu.memory_space<hbm>>
        %dma_start3A_30 = arith.constant 0 : i32
        %dma_start3A_31 = tpu.memref_slice %arg7[%add3A_27, %dma_start3A_30] : memref<204800x128xf32, #tpu.memory_space<hbm>> -> memref<128x128xf32, #tpu.memory_space<hbm>>
        tpu.enqueue_dma source(%arg12 : memref<128x128xf32, #tpu.memory_space<vmem>>) target(%dma_start3A_31 : memref<128x128xf32, #tpu.memory_space<hbm>>) target_semaphore(%run_scoped3A : memref<!tpu.dma_semaphore, #tpu.memory_space<semaphore_mem>>)
        %dma_wait3A_32 = arith.constant 0 : i32
        %dma_wait3A_33 = tpu.memref_slice %arg7[%add3A_27, %dma_wait3A_32] : memref<204800x128xf32, #tpu.memory_space<hbm>> -> memref<128x128xf32, #tpu.memory_space<hbm>>
        %dma_wait3A_34 = arith.constant 0 : i32
        %dma_wait3A_35 = tpu.memref_slice %arg7[%add3A_27, %dma_wait3A_34] : memref<204800x128xf32, #tpu.memory_space<hbm>> -> memref<128x128xf32, #tpu.memory_space<hbm>>
        tpu.wait_dma2 semaphore(%run_scoped3A : memref<!tpu.dma_semaphore, #tpu.memory_space<semaphore_mem>>) src(%arg12 : memref<128x128xf32, #tpu.memory_space<vmem>>) dst(%dma_wait3A_35 : memref<128x128xf32, #tpu.memory_space<hbm>>)
        tpu.yield
      }) : () -> ()
    }
    %scan3A_7 = arith.constant 50 : i32
    return
  }
}

</mosaic_0001>

<sc_bundles>
// kernel: kernel.3.cloned.1.call-start
scs
__scs_entry_jumppad:
0x0: {  	(pc) =	sbr.rel $0x88, $3  }
0x1: {  	(tag) =	ssettag $0x0;
	lr =	simm.s32 $0x1  }
0x2: {  	[smem:$0x3F9D] =	sst lr;
	_ =	strace $0xD0000000  }
0x3: {  	_ = 	snop  }
0x4: {  	_ = 	snop  }
0x5: {  	_ = 	snop  }
0x6: {  	_ = 	snop  }
0x7: {  	_ = 	snop  }
__scs_overlays_trampoline_lowered:
0x8: {  	[smem:$0x3FAC] =	sst s0  }
0x9: {  	[smem:$0x3FAD] =	sst s1  }
0xa: {  	[smem:$0x3FAE] =	sst s2  }
0xb: {  	[smem:$0x3FAF] =	sst s3  }
0xc: {  	[smem:$0x3FB0] =	sst s4  }
0xd: {  	[smem:$0x3FB1] =	sst s5  }
0xe: {  	[smem:$0x3FB2] =	sst s6  }
0xf: {  	[smem:$0x3FB3] =	sst s7  }
0x10: {  	[smem:$0x3FB4] =	sst s8  }
0x11: {  	[smem:$0x3FB5] =	sst s9;
	s0 =	simm.s32 @!p0 $0x0  }
0x12: {  	s1 =	sld [smem:$0x3F9B];
	s0 =	simm.s32 @p0 $0x1  }
0x13: {  	[smem:$0x3FB6] =	sst s0;
	s0 =	simm.s32 @!p1 $0x0  }
0x14: {  	s2 =	sld [smem:$0x3F9A];
	s0 =	simm.s32 @p1 $0x1  }
0x15: {  	[smem:$0x3FB7] =	sst s0;
	s0 =	simm.s32 @!p2 $0x0  }
0x16: {  	s3 =	sld [smem:$0x3FDB];
	s0 =	simm.s32 @p2 $0x1  }
0x17: {  	s4 =	simm.s32 $0x1BF5;
	[smem:$0x3FB9] =	sst s0  }
0x18: {  	s0 =	sld [smem:$0x3F9C];
	_ =	swait.ge [sflag:s4], $0x0  }
0x19: {  	s7 =	sld [smem:$0x3F9D]  }
0x1a: {  	s8 =	sadd.s32 $0xFFFFE003, lr  }
0x1b: {  	s9 =	sadd.s32 $0xFFFFFEF7, lr;
	s5 =	simm.s32 $0xFFFFFFFF;
	p2 =	slt.u32 s8, $0xFFFFF086  }
0x1c: {  	p1 =	slt.u32 s9, $0xF7A;
	s5 =	simm.s32 @!p2 $0x0  }
0x1d: {  	s5 =	simm.s32 @p1 $0x1;
	p0 =	seq.s32 s7, s2  }
0x1e: {  	s7 =	smul.u32 @!p0 $0xF7A, s2;
	p2 =	seq.s32 @!p0 s5, $0x0  }
0x1f: {  	s9 =	smul.u32 $0xF7A, s1;
	s8 =	simm.s32 @!p0 $0x1BF5;
	p2 =	por !p2, p0  }
0x20: {  	[sflag:s8] =	ssyncset.s32 @!p0 $0xFFFFF086;
	s6 =	sadd.s32 @!p0 s3, s7;
	s7 =	simm.s32 @!p0 $0x108  }
0x21: {  	s3 =	sadd.s32 s3, s9;
	s6 =	sadd.s32 @!p0 $0x88, s6;
	s7 =	simm.s32 @p2 $0x1082  }
0x22: {  	[simem:s7], [sflag:s8] =	dma.local @!p0 [hbm:s6], $0xF7A  }
0x23: {  	s9 =	sor.u32 $0xD0000000, s2;
	s6 =	simm.s32 $0x108;
	_ =	swait.ge @!p0 [sflag:s8], $0x0  }
0x24: {  	s3 =	sadd.s32 $0x88, s3;
	s6 =	simm.s32 @!p1 $0x1082;
	[sflag:s4] =	ssyncset.s32 $0xFFFFF086  }
0x25: {  	[simem:s6], [sflag:s4] =	dma.local [hbm:s3], $0xF7A  }
0x26: {  	[smem:$0x3F9D] =	sst s1;
	(tag) =	ssettag s2;
	_ =	strace s9  }
0x27: {  	s1 =	sld [smem:$0x3FAD]  }
0x28: {  	s2 =	sld [smem:$0x3FAE]  }
0x29: {  	s4 =	sld [smem:$0x3FB0]  }
0x2a: {  	p0 =	seq.s32 s5, $0x0;
	s5 =	sld [smem:$0x3FB1]  }
0x2b: {  	s6 =	sld [smem:$0x3FB2]  }
0x2c: {  	s7 =	sld [smem:$0x3FB3]  }
0x2d: {  	s3 =	simm.s32 $0x108;
	s8 =	sld [smem:$0x3FB4]  }
0x2e: {  	s3 =	simm.s32 @!p0 $0x1082;
	s9 =	sld [smem:$0x3FB5]  }
0x2f: {  	lr =	sadd.s32 s0, s3;
	s0 =	sld [smem:$0x3FAC]  }
0x30: {  	s3 =	sld [smem:$0x3FAF]  }
0x31: {  	[smem:$0x3FB8] =	sst s10  }
0x32: {  	s10 =	sld [smem:$0x3FB6];
	_ =	sdelay $0x3  }
0x33: {  	p0 =	seq.s32 s10, $0x1;
	s10 =	sld [smem:$0x3FB8];
	_ =	sdelay $0x3  }
0x34: {  	[smem:$0x3FB8] =	sst s10  }
0x35: {  	s10 =	sld [smem:$0x3FB7];
	_ =	sdelay $0x3  }
0x36: {  	p1 =	seq.s32 s10, $0x1;
	s10 =	sld [smem:$0x3FB8];
	_ =	sdelay $0x3  }
0x37: {  	[smem:$0x3FB8] =	sst s10  }
0x38: {  	s10 =	sld [smem:$0x3FB9]  }
0x39: {  	_ = 	snop;
	(pc) =	sbr.ind lr, $3  }
0x3a: {  	_ = 	snop  }
0x3b: {  	_ = 	snop  }
0x3c: {  	p2 =	seq.s32 s10, $0x1;
	s10 =	sld [smem:$0x3FB8]  }
0x3d: {  	_ =	shalt  }
0x3e: {  	_ =	shalt  }
0x3f: {  	_ =	shalt  }
0x40: {  	_ =	shalt  }
0x41: {  	_ =	shalt  }
0x42: {  	_ =	shalt  }
0x43: {  	_ =	shalt  }
0x44: {  	_ =	shalt  }
0x45: {  	_ =	shalt  }
0x46: {  	_ =	shalt  }
0x47: {  	_ =	shalt  }
0x48: {  	_ =	shalt  }
0x49: {  	_ =	shalt  }
0x4a: {  	_ =	shalt  }
0x4b: {  	_ =	shalt  }
0x4c: {  	_ =	shalt  }
0x4d: {  	_ =	shalt  }
0x4e: {  	_ =	shalt  }
0x4f: {  	_ =	shalt  }
0x50: {  	_ =	shalt  }
0x51: {  	_ =	shalt  }
0x52: {  	_ =	shalt  }
0x53: {  	_ =	shalt  }
0x54: {  	_ =	shalt  }
0x55: {  	_ =	shalt  }
0x56: {  	_ =	shalt  }
0x57: {  	_ =	shalt  }
0x58: {  	_ =	shalt  }
0x59: {  	_ =	shalt  }
0x5a: {  	_ =	shalt  }
0x5b: {  	_ =	shalt  }
0x5c: {  	_ =	shalt  }
0x5d: {  	_ =	shalt  }
0x5e: {  	_ =	shalt  }
0x5f: {  	_ =	shalt  }
0x60: {  	_ =	shalt  }
0x61: {  	_ =	shalt  }
0x62: {  	_ =	shalt  }
0x63: {  	_ =	shalt  }
0x64: {  	_ =	shalt  }
0x65: {  	_ =	shalt  }
0x66: {  	_ =	shalt  }
0x67: {  	_ =	shalt  }
0x68: {  	_ =	shalt  }
0x69: {  	_ =	shalt  }
0x6a: {  	_ =	shalt  }
0x6b: {  	_ =	shalt  }
0x6c: {  	_ =	shalt  }
0x6d: {  	_ =	shalt  }
0x6e: {  	_ =	shalt  }
0x6f: {  	_ =	shalt  }
0x70: {  	_ =	shalt  }
0x71: {  	_ =	shalt  }
0x72: {  	_ =	shalt  }
0x73: {  	_ =	shalt  }
0x74: {  	_ =	shalt  }
0x75: {  	_ =	shalt  }
0x76: {  	_ =	shalt  }
0x77: {  	_ =	shalt  }
0x78: {  	_ =	shalt  }
0x79: {  	_ =	shalt  }
0x7a: {  	_ =	shalt  }
0x7b: {  	_ =	shalt  }
0x7c: {  	_ =	shalt  }
0x7d: {  	_ =	shalt  }
0x7e: {  	_ =	shalt  }
0x7f: {  	_ =	shalt  }
0x80: {  	_ =	shalt  }
0x81: {  	_ =	shalt  }
0x82: {  	_ =	shalt  }
0x83: {  	_ =	shalt  }
0x84: {  	_ =	shalt  }
0x85: {  	_ =	shalt  }
0x86: {  	_ =	shalt  }
0x87: {  	_ =	shalt  }
.Lfunc_end0:
.L_simem_size_0:
called_computation_lowered:
.L_overlay_start_0:
0x88: {  	s2 =	sld [smem:$0x3FD9]  }
0x89: {  	s3 =	sld [smem:$0x3FFE];
	_ =	sdelay $0x1  }
0x8a: {  	s1 =	srdreg.scid  }
0x8b: {  	s0 =	sand.u32 $0x1, s1  }
0x8c: {  	s17 =	sshll.u32 s0, $0xA;
	s2 =	sadd.s32 s3, s2  }
0x8d: {  	s2 =	sadd.s32 s2, s17  }
0x8e: {  	[smem:$0x3FC4] =	sst s2  }
0x8f: {  	_ = 	snop  }
0x90: {  	s2 =	sld [smem:$0x3FC8]  }
0x91: {  	s18 =	sld [smem:$0x3FC7]  }
0x92: {  	s4 =	sld [smem:$0x3FC6]  }
0x93: {  	s5 =	sld [smem:$0x3FD0];
	(tm) =	ssettm $0x1  }
0x94: {  	s6 =	sld [smem:$0x3FFB];
	_ =	sdelay $0x3  }
0x95: {  	_ =	strace s6  }
0x96: {  	s6 =	sld [smem:$0x3FFC];
	_ =	sdelay $0x3  }
0x97: {  	_ =	strace s6  }
0x98: {  	s6 =	sld [smem:$0x3FFD];
	_ =	sdelay $0x3  }
0x99: {  	_ =	strace s6  }
0x9a: {  	_ =	strace $0x8FFFFFFF  }
0x9b: {  	s19 =	sld [smem:$0x3FDB];
	_ =	sdelay $0x1  }
0x9c: {  	s7 =	simm.s32 $_scs_section_size  }
0x9d: {  	s8 =	simm.s32 $_size__tile_overlayer_lowered;
	s9 =	simm.s32 $_tile_overlayer_lowered  }
0x9e: {  	s22 =	simm.s32 $0x1BFF;
	s21 =	sshll.u32 s9, $0x1;
	s6 =	sadd.s32 s7, s19  }
0x9f: {  	s10 =	simm.s32 $0x0;
	s20 =	sshll.u32 s8, $0x1;
	s8 =	sadd.s32 s21, s6  }
0xa0: {  	[timem:s10], [sflag:s22] =	dma.local [hbm:s8], s20  }
0xa1: {  	_ =	swait.ge [sflag:s22], s20  }
0xa2: {  	s7 =	ssub.s32 $0x0, s20;
	[sflag:s22] =	ssyncset.done $0x0  }
0xa3: {  	[sflag:s22] =	ssyncadd.s32 s7;
	_ =	sdelay $0x1  }
0xa4: {  	s23 =	simm.s32 $0x1B8B  }
0xa5: {  	_ =	swait.ge [sflag:s23], $0x1  }
0xa6: {  	[sflag:s23] =	ssyncset.done $0x0  }
0xa7: {  	s25 =	simm.s32 $0x1B8E;
	s24 =	sld [smem:$0x3FFE];
	[sflag:s23] =	ssyncadd.s32 $0xFFFFFFFF  }
0xa8: {  	s26 =	simm.s32 $execute0_lowered;
	[smem:$0x3FD2] =	sst s25  }
0xa9: {  	s8 =	sshll.u32 s26, $0x1;
	_ =	strace $0x80000046;
	[dreg:$0x1] =	wrdreg $0xFFFFFFFF  }
0xaa: {  	s28 =	simm.s32 $_size_execute0_lowered;
	s6 =	sadd.s32 s6, s8;
	[dreg:$0x0] =	wrdreg $0x0  }
0xab: {  	s8 =	sshll.u32 s28, $0x1;
	[dreg:$0x2] =	wrdreg s6  }
0xac: {  	[dreg:$0x3] =	wrdreg s8  }
0xad: {  	[dreg:$0x4] =	wrdreg $0xC0  }
0xae: {  	_ =	task [dreg:s10], $0x5FFFF  }
0xaf: {  	[dreg:$0x1] =	wrdreg $0xFFFFFFFF  }
0xb0: {  	[dreg:$0x0] =	wrdreg $0x60  }
0xb1: {  	[dreg:$0x2] =	wrdreg s24  }
0xb2: {  	[dreg:$0x3] =	wrdreg s2  }
0xb3: {  	[dreg:$0x4] =	wrdreg s18  }
0xb4: {  	[dreg:$0x5] =	wrdreg s4  }
0xb5: {  	[dreg:$0x6] =	wrdreg s5  }
0xb6: {  	[dreg:$0x7] =	wrdreg $0x9  }
0xb7: {  	_ =	task.clear_ibuf [dreg:s10], $0x8FFFF;
	_ =	strace $0x90000046  }
0xb8: {  	s29 =	simm.s32 $0x9;
	_ =	strace $0x80000048  }
0xb9: {  	_ =	swait.ge [sflag:s29], $0x1  }
0xba: {  	[sflag:s29] =	ssyncadd.s32 $0xFFFFFFFF  }
0xbb: {  	_ =	strace $0x90000048  }
0xbc: {  	_ =	sfence  }
0xbd: {  	s30 =	sld [smem:$0x0];
	_ =	sdelay $0x2  }
0xbe: {  	s31 =	sshll.u32 s1, $0xD;
	s1 =	sshrl.u32 s1, $0x2  }
0xbf: {  	s3 =	sand.u32 $0x4000, s31;
	s1 =	sadd.s32 s1, s30  }
0xc0: {  	s0 =	sor.u32 s3, s0;
	s1 =	sshll.u32 s1, $0x11  }
0xc1: {  	s0 =	sor.u32 s1, s0  }
0xc2: {  	s0 =	sadd.s32 $0x8F2B, s0  }
0xc3: {  	[sflag:s0] =	ssyncadd.remote.s32 $0x1  }
0xc4: {  	_ =	sfence.sel $0xFFFF  }
0xc5: {  	[dreg:$0x0] =	wrdreg $0xFFFFFFFF;
	(pc) =	sbr.abs _section_cstart, $3  }
0xc6: {  	[dreg:$0x1] =	wrdreg $0xFFFFFFFF  }
0xc7: {  	_ =	task.clear_ibuf [dreg:s10], $0x2FFFF;
	_ =	strace $0x9FFFFFFF  }
0xc8: {  	(tm) =	ssettm $0x7FFFFFFF  }
0xc9: {  	_ =	shalt  }
tec
execute0_lowered:
.L_overlay_start_1:
0x0: {  	(tag) =	ssettag $0x1  }
0x1: {  	v0 =	vimm.s32 $0xFEDCBA98;
	s0 =	rddreg [dreg:$0x0];
	v1 =	vimm.s32 $0x76543210  }
0x2: {  	s1 =	rddreg [dreg:$0x1];
	v2 =	vimm.s32 $0xBA98FEDC;
	v3 =	vimm.s32 $0x32107654;
	v4 =	vimm.s32 $0xDCFE98BA  }
0x3: {  	s2 =	rddreg [dreg:$0x2];
	v5 =	vimm.s32 $0x54761032;
	v6 =	vimm.s32 $0xEFCDAB89;
	v7 =	vimm.s32 $0x67452301  }
0x4: {  	s3 =	rddreg [dreg:$0x3];
	s5 =	srdreg.scid;
	v0 =	vunpack.c.l.s4.s8 v0;
	v1 =	vunpack.c.l.s4.s8 v1;
	v2 =	vunpack.c.l.s4.s8 v2  }
0x5: {  	s4 =	stileid.u32;
	s6 =	rddreg [dreg:$0x4];
	s7 =	simm.s32 $0x0;
	v3 =	vunpack.c.l.s4.s8 v3;
	v4 =	vunpack.c.l.s4.s8 v4;
	v5 =	vunpack.c.l.s4.s8 v5  }
0x6: {  	s12 =	simm.s32 $0x8000;
	s13 =	simm.s32 $0x8080;
	s14 =	simm.s32 $0x80;
	v6 =	vunpack.c.l.s4.s8 v6;
	v7 =	vunpack.c.l.s4.s8 v7;
	v0 =	vunpack.c.0.s8.s32 v0  }
0x7: {  	s15 =	simm.s32 $0x8100;
	s8 =	sand.u32 $0x1, s5;
	s9 =	sshll.u32 s4, $0x1;
	v2 =	vunpack.c.0.s8.s32 v2;
	v3 =	vunpack.c.0.s8.s32 v3;
	v4 =	vunpack.c.0.s8.s32 v4  }
0x8: {  	s16 =	simm.s32 $0x1;
	s17 =	simm.s32 $0x0;
	s9 =	sor.u32 s8, s9;
	v5 =	vunpack.c.0.s8.s32 v5;
	v6 =	vunpack.c.0.s8.s32 v6;
	v7 =	vunpack.c.0.s8.s32 v7  }
0x9: {  	[smem:$0x7FF] =	sst s7;
	s8 =	ssub.s32 $0x2, s8;
	s10 =	smul.u32 $0x380, s9;
	v1 =	vunpack.c.0.s8.s32 v1;
	v2 =	vcombine.low v3, v2  }
0xa: {  	s5 =	rddreg [dreg:$0x5];
	_ =	strace $0x80000047;
	s11 =	sshrl.u32 s8, $0x1;
	v3 =	vcombine.low v5, v4;
	v4 =	vcombine.low v7, v6;
	v0 =	vand.u32 $0xF, v0  }
0xb: {  	s11 =	ssub.s32 s8, s11;
	s8 =	smul.u32 $0x1900, s9;
	s10 =	sadd.s32 s10, s0;
	v0 =	vcombine.low v0, v1  }
0xc: {  	s9 =	sadd.s32 $0xE00, s10;
	s10 =	smax.u32 s11, $0x1;
	s11 =	simm.s32 $0x2;
	v1 =	vand.u32 $0xF, v2;
	v2 =	vand.u32 $0xF, v3;
	v3 =	vand.u32 $0xF, v4  }
.LBB2_1:
0xd: {  	[tilespmem:s7], [sflag:$0x2] =	stream.linear.gather [hbm4b:s9+s7], $0x1900, $0x38;
	[tilespmem:$0xC100] =	vst v63  }
0xe: {  	_ =	swait.ge [sflag:s11], $0x1900  }
0xf: {  	[sflag:s11] =	ssyncset.done $0x0  }
0x10: {  	s18 =	simm.s32 $0x1C00;
	[sflag:s11] =	ssyncadd.s32 $0xFFFFE700  }
0x11: {  	[tilespmem:s18], [sflag:$0x2] =	stream.linear.gather [hbm4b:s0+s7], $0x6400, $0x38;
	[tilespmem:$0xC100] =	vst v63  }
0x12: {  	_ =	swait.ge [sflag:s11], $0x6400  }
0x13: {  	[sflag:s11] =	ssyncset.done $0x0  }
0x14: {  	[sflag:s11] =	ssyncadd.s32 $0xFFFF9C00  }
0x15: {  	[tilespmem:s12], [sflag:$0x2] =	stream.linear.gather [hbm4b:s2+s7], $0x80, $0x38;
	[tilespmem:$0xC100] =	vst v63  }
0x16: {  	_ =	swait.ge [sflag:s11], $0x80  }
0x17: {  	[sflag:s11] =	ssyncset.done $0x0  }
0x18: {  	[sflag:s11] =	ssyncadd.s32 $0xFFFFFF80  }
0x19: {  	[tilespmem:s13], [sflag:$0x2] =	stream.linear.gather [hbm4b:s3+s7], $0x80, $0x38;
	[tilespmem:$0xC100] =	vst v63  }
0x1a: {  	_ =	swait.ge [sflag:s11], $0x80  }
0x1b: {  	[sflag:s11] =	ssyncset.done $0x0  }
0x1c: {  	s19 =	simm.s32 $0x0;
	s20 =	simm.s32 $0x0;
	[sflag:s11] =	ssyncadd.s32 $0xFFFFFF80  }
.LBB2_2:
0x1d: {  	s21 =	sshll.u32 s20, $0x7;
	s22 =	smulhi.u32 $0x51EB851F, s19  }
0x1e: {  	[tilespmem:s15], [sflag:$0x1] =	stream.indirect.gather [hbm4b:s1+s14], $0x80, s21, s14, $0xb8;
	[tilespmem:$0xC100] =	vst v63  }
0x1f: {  	_ =	swait.ge [sflag:s16], $0x4000  }
0x20: {  	s22 =	sshrl.u32 s22, $0x6;
	[sflag:s16] =	ssyncset.done $0x0  }
0x21: {  	s23 =	smul.u32 $0xFFFE7000, s22;
	s22 =	simm.s32 $0x0;
	[sflag:s16] =	ssyncadd.s32 $0xFFFFC000  }
0x22: {  	v4 =	vld [tilespmem:s22+$0x8100]  }
0x23: {  	s23 =	sshra.s32 s23, $0x2;
	v5 =	vld [tilespmem:s22+$0x8110]  }
0x24: {  	v6 =	vld [tilespmem:s22+$0x8120];
	s23 =	sadd.s32 s23, s18  }
0x25: {  	v7 =	vld [tilespmem:s23+$0x0]  }
0x26: {  	v8 =	vld [tilespmem:s23+$0x10]  }
0x27: {  	v9 =	vld [tilespmem:s23+$0x20]  }
0x28: {  	v10 =	vld [tilespmem:s22+$0x8130]  }
0x29: {  	v11 =	vld [tilespmem:s23+$0x30]  }
0x2a: {  	v12 =	vld [tilespmem:s22+$0x8140]  }
0x2b: {  	v4 =	vadd.f32 v7, v4;
	v5 =	vadd.f32 v8, v5;
	v7 =	vld [tilespmem:s23+$0x40]  }
0x2c: {  	v46 =	vld [tilespmem:s22+$0x8150];
	v6 =	vadd.f32 v9, v6  }
0x2d: {  	v13 =	vld [tilespmem:s23+$0x50];
	v47 =	vmul.f32 v4, v4;
	v14 =	vadd.f32 v5, v4;
	v15 =	vmul.f32 v5, v5  }
0x2e: {  	v48 =	vld [tilespmem:s22+$0x8160];
	v10 =	vadd.f32 v11, v10  }
0x2f: {  	v17 =	vld [tilespmem:s23+$0x60];
	v16 =	vmul.f32 v6, v6;
	v14 =	vadd.f32 v6, v14;
	v9 =	vadd.f32 v15, v47  }
0x30: {  	v18 =	vld [tilespmem:s22+$0x8170];
	v7 =	vadd.f32 v7, v12  }
0x31: {  	v49 =	vld [tilespmem:s23+$0x70];
	v50 =	vmul.f32 v10, v10;
	v14 =	vadd.f32 v10, v14;
	v9 =	vadd.f32 v16, v9  }
0x32: {  	v8 =	vadd.f32 v13, v46  }
0x33: {  	v51 =	vmul.f32 v7, v7;
	v14 =	vadd.f32 v7, v14;
	v9 =	vadd.f32 v50, v9  }
0x34: {  	v11 =	vadd.f32 v17, v48  }
0x35: {  	v52 =	vmul.f32 v8, v8;
	v14 =	vadd.f32 v8, v14;
	v9 =	vadd.f32 v51, v9  }
0x36: {  	v12 =	vadd.f32 v49, v18  }
0x37: {  	v53 =	vmul.f32 v11, v11;
	v14 =	vadd.f32 v11, v14;
	v9 =	vadd.f32 v52, v9;
	_ =	sdelay $0x1  }
0x38: {  	v54 =	vmul.f32 v12, v12;
	v14 =	vadd.f32 v12, v14;
	v9 =	vadd.f32 v53, v9;
	_ =	sdelay $0x1  }
0x39: {  	v9 =	vadd.f32 v54, v9;
	v55 =	vperm.xlane v14, v0;
	_ =	sdelay $0x1  }
0x3a: {  	v13 =	vadd.f32 v14, v55;
	v56 =	vperm.xlane v9, v0;
	_ =	sdelay $0x1  }
0x3b: {  	v57 =	vperm.xlane v13, v1;
	v9 =	vadd.f32 v56, v9;
	_ =	sdelay $0x1  }
0x3c: {  	v13 =	vadd.f32 v13, v57;
	v14 =	vperm.xlane v9, v1;
	_ =	sdelay $0x1  }
0x3d: {  	v15 =	vperm.xlane v13, v2;
	v9 =	vadd.f32 v14, v9;
	_ =	sdelay $0x1  }
0x3e: {  	v13 =	vadd.f32 v13, v15;
	v14 =	vperm.xlane v9, v2;
	_ =	sdelay $0x1  }
0x3f: {  	v15 =	vperm.xlane v13, v3;
	v9 =	vadd.f32 v14, v9;
	_ =	sdelay $0x1  }
0x40: {  	v13 =	vadd.f32 v13, v15;
	v14 =	vperm.xlane v9, v3;
	_ =	sdelay $0x1  }
0x41: {  	v13 =	vmul.f32 $7.812500000e-03, v13;
	v9 =	vadd.f32 v14, v9;
	_ =	sdelay $0x1  }
0x42: {  	v9 =	vmul.f32 $7.812500000e-03, v9;
	v58 =	vmul.f32 v13, v13;
	_ =	sdelay $0x1  }
0x43: {  	v9 =	vsub.f32 v9, v58;
	_ =	sdelay $0x1  }
0x44: {  	v9 =	vadd.f32 $9.999999970e-07, v9;
	_ =	sdelay $0x1  }
0x45: {  	v59 =	vshrl.u32 v9, $0x1;
	v9 =	vmul.f32 $5.000000000e-01, v9  }
0x46: {  	v14 =	vsub.s32 $0x5F3759DF, v59  }
0x47: {  	v60 =	vmul.f32 v14, v9;
	_ =	sdelay $0x1  }
0x48: {  	v15 =	vmul.f32 v14, v60;
	_ =	sdelay $0x1  }
0x49: {  	v15 =	vsub.f32 $1.500000000e+00, v15;
	_ =	sdelay $0x1  }
0x4a: {  	v14 =	vmul.f32 v14, v15;
	_ =	sdelay $0x1  }
0x4b: {  	v15 =	vmul.f32 v14, v9;
	_ =	sdelay $0x1  }
0x4c: {  	v15 =	vmul.f32 v15, v14;
	_ =	sdelay $0x1  }
0x4d: {  	v15 =	vsub.f32 $1.500000000e+00, v15;
	_ =	sdelay $0x1  }
0x4e: {  	v14 =	vmul.f32 v15, v14;
	_ =	sdelay $0x1  }
0x4f: {  	v9 =	vmul.f32 v14, v9;
	_ =	sdelay $0x1  }
0x50: {  	v9 =	vmul.f32 v9, v14;
	_ =	sdelay $0x1  }
0x51: {  	v9 =	vsub.f32 $1.500000000e+00, v9  }
0x52: {  	v61 =	vld [tilespmem:$0x8000]  }
0x53: {  	v4 =	vsub.f32 v4, v13;
	v9 =	vmul.f32 v9, v14  }
0x54: {  	v62 =	vld [tilespmem:$0x8080]  }
0x55: {  	v4 =	vmul.f32 v9, v4;
	_ =	sdelay $0x1  }
0x56: {  	v4 =	vmul.f32 v4, v61;
	_ =	sdelay $0x1  }
0x57: {  	v4 =	vadd.f32 v4, v62;
	_ =	sdelay $0x1  }
0x58: {  	[tilespmem:s22+$0x8100] =	vst v4  }
0x59: {  	v4 =	vld [tilespmem:$0x8010]  }
0x5a: {  	v5 =	vsub.f32 v5, v13  }
0x5b: {  	v63 =	vld [tilespmem:$0x8090]  }
0x5c: {  	v5 =	vmul.f32 v9, v5;
	_ =	sdelay $0x1  }
0x5d: {  	v4 =	vmul.f32 v5, v4;
	_ =	sdelay $0x1  }
0x5e: {  	v4 =	vadd.f32 v4, v63;
	_ =	sdelay $0x1  }
0x5f: {  	[tilespmem:s22+$0x8110] =	vst v4  }
0x60: {  	v4 =	vld [tilespmem:$0x8020]  }
0x61: {  	v5 =	vsub.f32 v6, v13  }
0x62: {  	v6 =	vld [tilespmem:$0x80A0]  }
0x63: {  	v5 =	vmul.f32 v9, v5;
	_ =	sdelay $0x1  }
0x64: {  	v4 =	vmul.f32 v5, v4;
	_ =	sdelay $0x1  }
0x65: {  	v4 =	vadd.f32 v4, v6;
	_ =	sdelay $0x1  }
0x66: {  	[tilespmem:s22+$0x8120] =	vst v4  }
0x67: {  	v4 =	vld [tilespmem:$0x8030]  }
0x68: {  	v5 =	vsub.f32 v10, v13  }
0x69: {  	v6 =	vld [tilespmem:$0x80B0]  }
0x6a: {  	v5 =	vmul.f32 v9, v5;
	_ =	sdelay $0x1  }
0x6b: {  	v4 =	vmul.f32 v5, v4;
	_ =	sdelay $0x1  }
0x6c: {  	v4 =	vadd.f32 v4, v6;
	_ =	sdelay $0x1  }
0x6d: {  	[tilespmem:s22+$0x8130] =	vst v4  }
0x6e: {  	v4 =	vld [tilespmem:$0x8040]  }
0x6f: {  	v5 =	vsub.f32 v7, v13  }
0x70: {  	v6 =	vld [tilespmem:$0x80C0]  }
0x71: {  	v5 =	vmul.f32 v9, v5;
	_ =	sdelay $0x1  }
0x72: {  	v4 =	vmul.f32 v5, v4;
	_ =	sdelay $0x1  }
0x73: {  	v4 =	vadd.f32 v4, v6;
	_ =	sdelay $0x1  }
0x74: {  	[tilespmem:s22+$0x8140] =	vst v4  }
0x75: {  	v4 =	vld [tilespmem:$0x8050]  }
0x76: {  	v5 =	vsub.f32 v8, v13  }
0x77: {  	v6 =	vld [tilespmem:$0x80D0]  }
0x78: {  	v5 =	vmul.f32 v9, v5;
	_ =	sdelay $0x1  }
0x79: {  	v4 =	vmul.f32 v5, v4;
	_ =	sdelay $0x1  }
0x7a: {  	v4 =	vadd.f32 v4, v6;
	_ =	sdelay $0x1  }
0x7b: {  	[tilespmem:s22+$0x8150] =	vst v4  }
0x7c: {  	v4 =	vld [tilespmem:$0x8060]  }
0x7d: {  	v5 =	vsub.f32 v11, v13  }
0x7e: {  	v6 =	vld [tilespmem:$0x80E0]  }
0x7f: {  	v5 =	vmul.f32 v9, v5;
	_ =	sdelay $0x1  }
0x80: {  	v4 =	vmul.f32 v5, v4;
	_ =	sdelay $0x1  }
0x81: {  	v4 =	vadd.f32 v4, v6;
	_ =	sdelay $0x1  }
0x82: {  	[tilespmem:s22+$0x8160] =	vst v4  }
0x83: {  	v4 =	vld [tilespmem:$0x8070]  }
0x84: {  	s23 =	sadd.s32 $0x1, s19;
	v5 =	vsub.f32 v12, v13  }
0x85: {  	s24 =	smulhi.u32 $0x51EB851F, s23;
	v6 =	vld [tilespmem:$0x80F0]  }
0x86: {  	v5 =	vmul.f32 v9, v5  }
0x87: {  	s24 =	sshrl.u32 s24, $0x6  }
0x88: {  	s25 =	smul.u32 $0xFFFE7000, s24;
	v5 =	vmul.f32 v4, v5  }
0x89: {  	s28 =	simm.s32 $0x80  }
0x8a: {  	s24 =	simm.s32 $0x400;
	s29 =	sshra.s32 s25, $0x2;
	s25 =	smov.u32 s18;
	v4 =	vld [tilespmem:s28+$0x8100];
	v5 =	vadd.f32 v6, v5  }
.LBB2_3:
0x8b: {  	p0 =	sne.s32 s24, $0xFE00  }
0x8c: {  	v6 =	vld [tilespmem:s28+$0x8110];
	s25 =	sadd.s32 $0x80, s25;
	s26 =	smov.u32 s24;
	s24 =	sadd.s32 $0x200, s24  }
0x8d: {  	s29 =	sadd.s32 s29, s25;
	v7 =	vld [tilespmem:s28+$0x8120];
	[tilespmem:s22+$0x8170] =	vst v5;
	s22 =	smov.u32 s28  }
0x8e: {  	v5 =	vld [tilespmem:s29+$0x0]  }
0x8f: {  	v8 =	vld [tilespmem:s29+$0x10]  }
0x90: {  	v9 =	vld [tilespmem:s29+$0x20]  }
0x91: {  	v10 =	vld [tilespmem:s22+$0x8130]  }
0x92: {  	v11 =	vld [tilespmem:s29+$0x30]  }
0x93: {  	v4 =	vadd.f32 v5, v4;
	v5 =	vld [tilespmem:s22+$0x8140]  }
0x94: {  	v6 =	vadd.f32 v8, v6;
	v8 =	vld [tilespmem:s29+$0x40]  }
0x95: {  	v7 =	vadd.f32 v9, v7;
	v9 =	vld [tilespmem:s22+$0x8150];
	v12 =	vmul.f32 v4, v4  }
0x96: {  	v13 =	vld [tilespmem:s29+$0x50];
	v14 =	vadd.f32 v6, v4;
	v15 =	vmul.f32 v6, v6  }
0x97: {  	v10 =	vadd.f32 v11, v10;
	v11 =	vld [tilespmem:s22+$0x8160];
	v16 =	vmul.f32 v7, v7  }
0x98: {  	v17 =	vld [tilespmem:s29+$0x60];
	v14 =	vadd.f32 v7, v14;
	v12 =	vadd.f32 v15, v12  }
0x99: {  	v5 =	vadd.f32 v8, v5;
	v8 =	vld [tilespmem:s29+$0x70];
	v15 =	vmul.f32 v10, v10  }
0x9a: {  	v18 =	vld [tilespmem:s22+$0x8170];
	v14 =	vadd.f32 v10, v14;
	v12 =	vadd.f32 v16, v12  }
0x9b: {  	v9 =	vadd.f32 v13, v9;
	v13 =	vmul.f32 v5, v5  }
0x9c: {  	v14 =	vadd.f32 v5, v14;
	v12 =	vadd.f32 v15, v12  }
0x9d: {  	v11 =	vadd.f32 v17, v11;
	v15 =	vmul.f32 v9, v9  }
0x9e: {  	v14 =	vadd.f32 v9, v14;
	v12 =	vadd.f32 v13, v12  }
0x9f: {  	v8 =	vadd.f32 v8, v18;
	v13 =	vmul.f32 v11, v11  }
0xa0: {  	v14 =	vadd.f32 v11, v14;
	v12 =	vadd.f32 v15, v12  }
0xa1: {  	v15 =	vmul.f32 v8, v8  }
0xa2: {  	v14 =	vadd.f32 v8, v14;
	v12 =	vadd.f32 v13, v12;
	_ =	sdelay $0x1  }
0xa3: {  	v12 =	vadd.f32 v15, v12;
	v13 =	vperm.xlane v14, v0;
	_ =	sdelay $0x1  }
0xa4: {  	v13 =	vadd.f32 v14, v13;
	v14 =	vperm.xlane v12, v0;
	_ =	sdelay $0x1  }
0xa5: {  	v15 =	vperm.xlane v13, v1;
	v12 =	vadd.f32 v14, v12;
	_ =	sdelay $0x1  }
0xa6: {  	v13 =	vadd.f32 v13, v15;
	v14 =	vperm.xlane v12, v1;
	_ =	sdelay $0x1  }
0xa7: {  	v15 =	vperm.xlane v13, v2;
	v12 =	vadd.f32 v14, v12;
	_ =	sdelay $0x1  }
0xa8: {  	v13 =	vadd.f32 v13, v15;
	v14 =	vperm.xlane v12, v2;
	_ =	sdelay $0x1  }
0xa9: {  	v15 =	vperm.xlane v13, v3;
	v12 =	vadd.f32 v14, v12;
	_ =	sdelay $0x1  }
0xaa: {  	v13 =	vadd.f32 v13, v15;
	v14 =	vperm.xlane v12, v3;
	_ =	sdelay $0x1  }
0xab: {  	v13 =	vmul.f32 $7.812500000e-03, v13;
	v12 =	vadd.f32 v14, v12;
	_ =	sdelay $0x1  }
0xac: {  	v12 =	vmul.f32 $7.812500000e-03, v12;
	v14 =	vmul.f32 v13, v13;
	v15 =	vsub.f32 v4, v13  }
0xad: {  	v16 =	vsub.f32 v6, v13;
	v7 =	vsub.f32 v7, v13  }
0xae: {  	v10 =	vsub.f32 v10, v13;
	v4 =	vsub.f32 v12, v14  }
0xaf: {  	v6 =	vsub.f32 v9, v13;
	v12 =	vsub.f32 v5, v13  }
0xb0: {  	v5 =	vsub.f32 v11, v13;
	v9 =	vadd.f32 $9.999999970e-07, v4  }
0xb1: {  	v4 =	vsub.f32 v8, v13  }
0xb2: {  	v8 =	vshrl.u32 v9, $0x1;
	v9 =	vmul.f32 $5.000000000e-01, v9  }
0xb3: {  	v8 =	vsub.s32 $0x5F3759DF, v8  }
0xb4: {  	v11 =	vmul.f32 v8, v9;
	_ =	sdelay $0x1  }
0xb5: {  	v11 =	vmul.f32 v8, v11;
	_ =	sdelay $0x1  }
0xb6: {  	v11 =	vsub.f32 $1.500000000e+00, v11;
	_ =	sdelay $0x1  }
0xb7: {  	v8 =	vmul.f32 v8, v11;
	_ =	sdelay $0x1  }
0xb8: {  	v11 =	vmul.f32 v8, v9;
	_ =	sdelay $0x1  }
0xb9: {  	v11 =	vmul.f32 v11, v8;
	_ =	sdelay $0x1  }
0xba: {  	v11 =	vsub.f32 $1.500000000e+00, v11;
	_ =	sdelay $0x1  }
0xbb: {  	v8 =	vmul.f32 v11, v8;
	_ =	sdelay $0x1  }
0xbc: {  	v9 =	vmul.f32 v8, v9;
	_ =	sdelay $0x1  }
0xbd: {  	v9 =	vmul.f32 v9, v8;
	_ =	sdelay $0x1  }
0xbe: {  	v9 =	vsub.f32 $1.500000000e+00, v9;
	v11 =	vld [tilespmem:$0x8000];
	_ =	sdelay $0x1  }
0xbf: {  	v8 =	vmul.f32 v9, v8;
	v9 =	vld [tilespmem:$0x8080];
	_ =	sdelay $0x1  }
0xc0: {  	v13 =	vmul.f32 v8, v15;
	_ =	sdelay $0x1  }
0xc1: {  	v11 =	vmul.f32 v13, v11;
	_ =	sdelay $0x1  }
0xc2: {  	v9 =	vadd.f32 v11, v9;
	_ =	sdelay $0x1  }
0xc3: {  	[tilespmem:s22+$0x8100] =	vst v9  }
0xc4: {  	v9 =	vld [tilespmem:$0x8010]  }
0xc5: {  	v11 =	vld [tilespmem:$0x8090]  }
0xc6: {  	v13 =	vmul.f32 v8, v16;
	_ =	sdelay $0x2  }
0xc7: {  	v9 =	vmul.f32 v13, v9;
	_ =	sdelay $0x1  }
0xc8: {  	v9 =	vadd.f32 v9, v11;
	_ =	sdelay $0x1  }
0xc9: {  	[tilespmem:s22+$0x8110] =	vst v9  }
0xca: {  	v9 =	vld [tilespmem:$0x8020]  }
0xcb: {  	v11 =	vld [tilespmem:$0x80A0]  }
0xcc: {  	v7 =	vmul.f32 v8, v7;
	_ =	sdelay $0x2  }
0xcd: {  	v7 =	vmul.f32 v7, v9;
	_ =	sdelay $0x1  }
0xce: {  	v7 =	vadd.f32 v7, v11;
	_ =	sdelay $0x1  }
0xcf: {  	[tilespmem:s22+$0x8120] =	vst v7  }
0xd0: {  	v7 =	vld [tilespmem:$0x8030]  }
0xd1: {  	v9 =	vld [tilespmem:$0x80B0]  }
0xd2: {  	v10 =	vmul.f32 v8, v10;
	_ =	sdelay $0x2  }
0xd3: {  	v7 =	vmul.f32 v10, v7;
	_ =	sdelay $0x1  }
0xd4: {  	v7 =	vadd.f32 v7, v9;
	_ =	sdelay $0x1  }
0xd5: {  	[tilespmem:s22+$0x8130] =	vst v7  }
0xd6: {  	v7 =	vld [tilespmem:$0x8040]  }
0xd7: {  	v9 =	vld [tilespmem:$0x80C0]  }
0xd8: {  	v10 =	vmul.f32 v8, v12;
	_ =	sdelay $0x2  }
0xd9: {  	v7 =	vmul.f32 v10, v7;
	_ =	sdelay $0x1  }
0xda: {  	v7 =	vadd.f32 v7, v9;
	_ =	sdelay $0x1  }
0xdb: {  	[tilespmem:s22+$0x8140] =	vst v7  }
0xdc: {  	v7 =	vld [tilespmem:$0x8050]  }
0xdd: {  	v9 =	vld [tilespmem:$0x80D0]  }
0xde: {  	v6 =	vmul.f32 v8, v6;
	_ =	sdelay $0x2  }
0xdf: {  	v6 =	vmul.f32 v6, v7;
	_ =	sdelay $0x1  }
0xe0: {  	v6 =	vadd.f32 v6, v9;
	_ =	sdelay $0x1  }
0xe1: {  	[tilespmem:s22+$0x8150] =	vst v6  }
0xe2: {  	v6 =	vld [tilespmem:$0x8060]  }
0xe3: {  	v7 =	vld [tilespmem:$0x80E0]  }
0xe4: {  	v5 =	vmul.f32 v8, v5;
	_ =	sdelay $0x2  }
0xe5: {  	v5 =	vmul.f32 v5, v6;
	_ =	sdelay $0x1  }
0xe6: {  	v5 =	vadd.f32 v5, v7;
	_ =	sdelay $0x1  }
0xe7: {  	[tilespmem:s22+$0x8160] =	vst v5  }
0xe8: {  	v5 =	vld [tilespmem:$0x8070]  }
0xe9: {  	s23 =	sadd.s32 $0x1, s23;
	v6 =	vld [tilespmem:$0x80F0]  }
0xea: {  	s28 =	smulhi.u32 $0x51EB851F, s23;
	v4 =	vmul.f32 v8, v4  }
.Ltmp0:
0xeb: {  	(pc) =	sbr.rel @p0 .LBB2_3-.Ltmp0, $4  }
0xec: {  	s28 =	sshrl.u32 s28, $0x6  }
0xed: {  	s29 =	smul.u32 $0xFFFE7000, s28;
	v5 =	vmul.f32 v5, v4  }
0xee: {  	s28 =	sshra.s32 s26, $0x2  }
0xef: {  	s29 =	sshra.s32 s29, $0x2;
	v4 =	vld [tilespmem:s28+$0x8100];
	v5 =	vadd.f32 v6, v5  }
0xf0: {  	v6 =	vld [tilespmem:s28+$0x8110];
	s23 =	sadd.s32 $0x80, s25  }
0xf1: {  	v7 =	vld [tilespmem:s28+$0x8120];
	s23 =	sadd.s32 s29, s23;
	[tilespmem:s22+$0x8170] =	vst v5  }
0xf2: {  	v5 =	vld [tilespmem:s23+$0x0]  }
0xf3: {  	v8 =	vld [tilespmem:s23+$0x10]  }
0xf4: {  	v9 =	vld [tilespmem:s23+$0x20]  }
0xf5: {  	v10 =	vld [tilespmem:s28+$0x8130]  }
0xf6: {  	v11 =	vld [tilespmem:s23+$0x30]  }
0xf7: {  	v12 =	vld [tilespmem:s28+$0x8140]  }
0xf8: {  	v39 =	vld [tilespmem:s23+$0x40];
	v4 =	vadd.f32 v5, v4;
	v5 =	vadd.f32 v8, v6  }
0xf9: {  	v40 =	vld [tilespmem:s28+$0x8150];
	v7 =	vadd.f32 v9, v7  }
0xfa: {  	v13 =	vld [tilespmem:s23+$0x50];
	v41 =	vmul.f32 v4, v4;
	v14 =	vadd.f32 v5, v4;
	v15 =	vmul.f32 v5, v5  }
0xfb: {  	v42 =	vld [tilespmem:s28+$0x8160];
	v10 =	vadd.f32 v11, v10  }
0xfc: {  	v17 =	vld [tilespmem:s23+$0x60];
	v16 =	vmul.f32 v7, v7;
	v14 =	vadd.f32 v7, v14;
	v9 =	vadd.f32 v15, v41  }
0xfd: {  	v43 =	vld [tilespmem:s23+$0x70];
	v6 =	vadd.f32 v39, v12  }
0xfe: {  	v18 =	vld [tilespmem:s28+$0x8170];
	v44 =	vmul.f32 v10, v10;
	v14 =	vadd.f32 v10, v14;
	v9 =	vadd.f32 v16, v9  }
0xff: {  	v8 =	vadd.f32 v13, v40  }
0x100: {  	v45 =	vmul.f32 v6, v6;
	v14 =	vadd.f32 v6, v14;
	v9 =	vadd.f32 v44, v9  }
0x101: {  	v11 =	vadd.f32 v17, v42  }
0x102: {  	v46 =	vmul.f32 v8, v8;
	v14 =	vadd.f32 v8, v14;
	v9 =	vadd.f32 v45, v9  }
0x103: {  	v12 =	vadd.f32 v43, v18  }
0x104: {  	v47 =	vmul.f32 v11, v11;
	v14 =	vadd.f32 v11, v14;
	v9 =	vadd.f32 v46, v9;
	_ =	sdelay $0x1  }
0x105: {  	v48 =	vmul.f32 v12, v12;
	v14 =	vadd.f32 v12, v14;
	v9 =	vadd.f32 v47, v9;
	_ =	sdelay $0x1  }
0x106: {  	v9 =	vadd.f32 v48, v9;
	v49 =	vperm.xlane v14, v0;
	_ =	sdelay $0x1  }
0x107: {  	v13 =	vadd.f32 v14, v49;
	v50 =	vperm.xlane v9, v0;
	_ =	sdelay $0x1  }
0x108: {  	v51 =	vperm.xlane v13, v1;
	v9 =	vadd.f32 v50, v9;
	_ =	sdelay $0x1  }
0x109: {  	v13 =	vadd.f32 v13, v51;
	v14 =	vperm.xlane v9, v1;
	_ =	sdelay $0x1  }
0x10a: {  	v15 =	vperm.xlane v13, v2;
	v9 =	vadd.f32 v14, v9;
	_ =	sdelay $0x1  }
0x10b: {  	v13 =	vadd.f32 v13, v15;
	v14 =	vperm.xlane v9, v2;
	_ =	sdelay $0x1  }
0x10c: {  	v15 =	vperm.xlane v13, v3;
	v9 =	vadd.f32 v14, v9;
	_ =	sdelay $0x1  }
0x10d: {  	v13 =	vadd.f32 v13, v15;
	v14 =	vperm.xlane v9, v3;
	_ =	sdelay $0x1  }
0x10e: {  	v13 =	vmul.f32 $7.812500000e-03, v13;
	v9 =	vadd.f32 v14, v9;
	_ =	sdelay $0x1  }
0x10f: {  	v9 =	vmul.f32 $7.812500000e-03, v9;
	v52 =	vmul.f32 v13, v13;
	_ =	sdelay $0x1  }
0x110: {  	v9 =	vsub.f32 v9, v52;
	_ =	sdelay $0x1  }
0x111: {  	v9 =	vadd.f32 $9.999999970e-07, v9;
	_ =	sdelay $0x1  }
0x112: {  	v53 =	vshrl.u32 v9, $0x1;
	v9 =	vmul.f32 $5.000000000e-01, v9  }
0x113: {  	v14 =	vsub.s32 $0x5F3759DF, v53  }
0x114: {  	v54 =	vmul.f32 v14, v9;
	_ =	sdelay $0x1  }
0x115: {  	v15 =	vmul.f32 v14, v54;
	_ =	sdelay $0x1  }
0x116: {  	v15 =	vsub.f32 $1.500000000e+00, v15;
	_ =	sdelay $0x1  }
0x117: {  	v14 =	vmul.f32 v14, v15;
	_ =	sdelay $0x1  }
0x118: {  	v15 =	vmul.f32 v14, v9;
	_ =	sdelay $0x1  }
0x119: {  	v15 =	vmul.f32 v15, v14;
	_ =	sdelay $0x1  }
0x11a: {  	v15 =	vsub.f32 $1.500000000e+00, v15;
	_ =	sdelay $0x1  }
0x11b: {  	v14 =	vmul.f32 v15, v14;
	_ =	sdelay $0x1  }
0x11c: {  	v9 =	vmul.f32 v14, v9;
	_ =	sdelay $0x1  }
0x11d: {  	v9 =	vmul.f32 v9, v14;
	_ =	sdelay $0x1  }
0x11e: {  	v9 =	vsub.f32 $1.500000000e+00, v9  }
0x11f: {  	v55 =	vld [tilespmem:$0x8000]  }
0x120: {  	v4 =	vsub.f32 v4, v13;
	v9 =	vmul.f32 v9, v14  }
0x121: {  	v56 =	vld [tilespmem:$0x8080]  }
0x122: {  	v4 =	vmul.f32 v9, v4;
	_ =	sdelay $0x1  }
0x123: {  	v4 =	vmul.f32 v4, v55;
	_ =	sdelay $0x1  }
0x124: {  	v4 =	vadd.f32 v4, v56;
	_ =	sdelay $0x1  }
0x125: {  	[tilespmem:s28+$0x8100] =	vst v4  }
0x126: {  	v4 =	vld [tilespmem:$0x8010]  }
0x127: {  	v5 =	vsub.f32 v5, v13  }
0x128: {  	v57 =	vld [tilespmem:$0x8090]  }
0x129: {  	v5 =	vmul.f32 v9, v5;
	_ =	sdelay $0x1  }
0x12a: {  	v4 =	vmul.f32 v5, v4;
	_ =	sdelay $0x1  }
0x12b: {  	v4 =	vadd.f32 v4, v57;
	_ =	sdelay $0x1  }
0x12c: {  	[tilespmem:s28+$0x8110] =	vst v4  }
0x12d: {  	v4 =	vld [tilespmem:$0x8020]  }
0x12e: {  	v5 =	vsub.f32 v7, v13  }
0x12f: {  	v58 =	vld [tilespmem:$0x80A0]  }
0x130: {  	v5 =	vmul.f32 v9, v5;
	_ =	sdelay $0x1  }
0x131: {  	v4 =	vmul.f32 v5, v4;
	_ =	sdelay $0x1  }
0x132: {  	v4 =	vadd.f32 v4, v58;
	_ =	sdelay $0x1  }
0x133: {  	[tilespmem:s28+$0x8120] =	vst v4  }
0x134: {  	v4 =	vld [tilespmem:$0x8030]  }
0x135: {  	v5 =	vsub.f32 v10, v13  }
0x136: {  	v59 =	vld [tilespmem:$0x80B0]  }
0x137: {  	v5 =	vmul.f32 v9, v5;
	_ =	sdelay $0x1  }
0x138: {  	v4 =	vmul.f32 v5, v4;
	_ =	sdelay $0x1  }
0x139: {  	v4 =	vadd.f32 v4, v59;
	_ =	sdelay $0x1  }
0x13a: {  	[tilespmem:s28+$0x8130] =	vst v4  }
0x13b: {  	v4 =	vld [tilespmem:$0x8040]  }
0x13c: {  	v5 =	vsub.f32 v6, v13  }
0x13d: {  	v60 =	vld [tilespmem:$0x80C0]  }
0x13e: {  	v5 =	vmul.f32 v9, v5;
	_ =	sdelay $0x1  }
0x13f: {  	v4 =	vmul.f32 v5, v4;
	_ =	sdelay $0x1  }
0x140: {  	v4 =	vadd.f32 v4, v60;
	_ =	sdelay $0x1  }
0x141: {  	[tilespmem:s28+$0x8140] =	vst v4  }
0x142: {  	v4 =	vld [tilespmem:$0x8050]  }
0x143: {  	v5 =	vsub.f32 v8, v13  }
0x144: {  	v61 =	vld [tilespmem:$0x80D0]  }
0x145: {  	v5 =	vmul.f32 v9, v5;
	_ =	sdelay $0x1  }
0x146: {  	v4 =	vmul.f32 v5, v4;
	_ =	sdelay $0x1  }
0x147: {  	v4 =	vadd.f32 v4, v61;
	_ =	sdelay $0x1  }
0x148: {  	[tilespmem:s28+$0x8150] =	vst v4  }
0x149: {  	v4 =	vld [tilespmem:$0x8060]  }
0x14a: {  	v5 =	vsub.f32 v11, v13  }
0x14b: {  	v62 =	vld [tilespmem:$0x80E0]  }
0x14c: {  	v5 =	vmul.f32 v9, v5;
	_ =	sdelay $0x1  }
0x14d: {  	v4 =	vmul.f32 v5, v4;
	_ =	sdelay $0x1  }
0x14e: {  	v4 =	vadd.f32 v4, v62;
	_ =	sdelay $0x1  }
0x14f: {  	[tilespmem:s28+$0x8160] =	vst v4  }
0x150: {  	v4 =	vld [tilespmem:$0x8070]  }
0x151: {  	v5 =	vsub.f32 v12, v13  }
0x152: {  	v63 =	vld [tilespmem:$0x80F0]  }
0x153: {  	v5 =	vmul.f32 v9, v5;
	_ =	sdelay $0x1  }
0x154: {  	v4 =	vmul.f32 v4, v5;
	_ =	sdelay $0x1  }
0x155: {  	s21 =	sadd.s32 s8, s21;
	s20 =	sadd.s32 $0x1, s20;
	v4 =	vadd.f32 v63, v4  }
0x156: {  	s21 =	sshll.u32 s21, $0x4;
	p0 =	sne.s32 s20, $0x32  }
.Ltmp1:
0x157: {  	s21 =	sadd.s32 s6, s21;
	[tilespmem:s28+$0x8170] =	vst v4;
	(pc) =	sbr.rel @p0 .LBB2_2-.Ltmp1, $4  }
0x158: {  	[hbm4b:s21+s7] =	stream.linear.scatter [tilespmem:s15], [sflag:$0x2], $0x4000, $0x38;
	[tilespmem:$0xC100] =	vst v63  }
0x159: {  	_ =	swait.ge [sflag:s11], $0x4000  }
0x15a: {  	[sflag:s11] =	ssyncset.done $0x0  }
0x15b: {  	s18 =	sadd.s32 $0x4000, s18;
	s19 =	sadd.s32 $0x80, s19;
	[sflag:s11] =	ssyncadd.s32 $0xFFFFC000  }
0x15c: {  	s17 =	sadd.s32 $0x1, s17  }
0x15d: {  	p0 =	sne.s32 s17, s10  }
.Ltmp2:
0x15e: {  	_ = 	snop;
	(pc) =	sbr.rel @p0 .LBB2_1-.Ltmp2, $1  }
0x15f: {  	_ =	sdelay $0x3  }
0x160: {  	_ =	sfence.sel $0x180000  }
0x161: {  	[bflag:$0x0] =	sbarrier.arrive $0xFFFF  }
0x162: {  	p0 =	sne.s32 s4, $0x0;
	_ =	strace $0x90000047  }
0x163: {  	s0 =	sadd.s32 @!p0 $0x100000, s5;
	[bflag:$0x2] =	sbarrier.arrive $0xFFFF  }
0x164: {  	[sflag:s0] =	ssyncadd.tile.s32 @!p0 $0x1;
	_ =	shalt  }
.Lfunc_end2:
_tile_overlayer_lowered:
.L_overlay_start_2:
0x165: {  	(tag) =	ssettag $0x2  }
0x166: {  	s0 =	rddreg [dreg:$0x0];
	s2 =	stileid.u32  }
0x167: {  	s1 =	rddreg [dreg:$0x1];
	p0 =	sne.s32 s2, $0x0  }
0x168: {  	s3 =	rddreg [dreg:$0x2];
	[bflag:$0x3] =	sbarrier.arrive $0xFFFF;
	s2 =	simm.s32 @!p0 $0x1C02  }
0x169: {  	[timem:s3], [sflag:s2] =	dma.local @!p0 [hbm:s0], s1  }
0x16a: {  	s0 =	simm.s32 @!p0 $0x2  }
0x16b: {  	_ =	swait.ge @!p0 [sflag:s0], s1  }
0x16c: {  	s1 =	ssub.s32 @!p0 $0x0, s1;
	[sflag:s0] =	ssyncset.done @!p0 $0x0  }
0x16d: {  	[sflag:s0] =	ssyncadd.s32 @!p0 s1  }
0x16e: {  	[bflag:$0x3] =	sbarrier.arrive $0xFFFF  }
0x16f: {  	_ =	shalt  }

</sc_bundles>
